<compile_context>
chip_gen: v7x
topology: tpu7x:2x2x1
jax: 0.10.2.dev20260603
libtpu: 0.0.44.dev20260713+nightly
codegen_flags: <defaults>
</compile_context>

<pallas_src>
import functools

import jax
import jax.numpy as jnp
from jax import lax
from jax.experimental import pallas as pl
from jax.experimental.pallas import tpu as pltpu
from jax.experimental.pallas import tpu_sc as plsc

N_NODES = 100000
N_EDGES = 1600000
GW = 16
NG = 4
K1 = 1000
K2 = 800
ROWS_PER_TILE = 6256
N_PAD = ROWS_PER_TILE * 16
LAST_ROWS = N_NODES - 15 * ROWS_PER_TILE


def _flush_acc_slice(acc, out, s):
    @pl.when(s < 15)
    def _():
        sl = pl.ds(s * ROWS_PER_TILE, ROWS_PER_TILE)
        pltpu.sync_copy(acc.at[sl], out.at[sl])

    @pl.when(s == 15)
    def _():
        sl = pl.ds(15 * ROWS_PER_TILE, LAST_ROWS)
        pltpu.sync_copy(acc.at[sl], out.at[sl])


def _zero_acc_slice(zer, acc, s):
    sl = pl.ds(s * ROWS_PER_TILE, ROWS_PER_TILE)
    pltpu.sync_copy(zer.at[sl], acc.at[sl])


def _edge_chunks(sr, dr, x_hbm, is2, id2, rw2, gA, gB, acc, base, k, n):
    def prefetch(i, b, g):
        off = base + i * k
        pltpu.sync_copy(sr.at[pl.ds(off, k)], is2.at[b])
        pltpu.sync_copy(dr.at[pl.ds(off, k)], id2.at[b])
        pltpu.async_copy(x_hbm.at[is2.at[b]], rw2.at[b], g)

    prefetch(0, 0, gA)

    def body(i, carry):
        par = i % 2

        @pl.when(par == 0)
        def _():
            @pl.when(i + 1 < n)
            def _():
                prefetch(i + 1, 1, gB)
            pltpu.make_async_copy(x_hbm.at[is2.at[0]], rw2.at[0], gA).wait()

        @pl.when(par == 1)
        def _():
            @pl.when(i + 1 < n)
            def _():
                prefetch(i + 1, 0, gA)
            pltpu.make_async_copy(x_hbm.at[is2.at[1]], rw2.at[1], gB).wait()

        pltpu.sync_copy(rw2.at[par], acc.at[id2.at[par]], add=True)
        return carry

    lax.fori_loop(0, n, body, 0)


_MESH = plsc.VectorSubcoreMesh(core_axis_name="c", subcore_axis_name="s")


@functools.partial(
    pl.kernel,
    mesh=_MESH,
    compiler_params=pltpu.CompilerParams(use_tc_tiling_on_sc=False),
    out_type=jax.ShapeDtypeStruct((2, N_NODES), jnp.float32),
    scratch_types=[
        pltpu.VMEM((2, K1), jnp.int32),
        pltpu.VMEM((2, K1), jnp.int32),
        pltpu.VMEM((2, K1), jnp.float32),
        pltpu.VMEM_SHARED((N_PAD,), jnp.float32),
        pltpu.SemaphoreType.DMA,
        pltpu.SemaphoreType.DMA,
    ],
)
def _sc_spmv1(src, dst, feats, zer1, pout,
              is2, id2, rw2, acc, gA, gB):
    c = lax.axis_index("c")
    s = lax.axis_index("s")
    _zero_acc_slice(zer1, acc, s)
    plsc.subcore_barrier()
    tid = c * 16 + s
    e_per_tile = N_EDGES // 32
    _edge_chunks(src, dst, feats, is2, id2, rw2, gA, gB, acc,
                 tid * e_per_tile, K1, e_per_tile // K1)
    plsc.subcore_barrier()
    _flush_acc_slice(acc, pout.at[c], s)


@functools.partial(
    pl.kernel,
    mesh=_MESH,
    compiler_params=pltpu.CompilerParams(use_tc_tiling_on_sc=False),
    out_type=jax.ShapeDtypeStruct((NG, N_NODES, GW), jnp.float32),
    scratch_types=[
        pltpu.VMEM((2, K2), jnp.int32),
        pltpu.VMEM((2, K2), jnp.int32),
        pltpu.VMEM((2, K2, GW), jnp.float32),
        pltpu.VMEM_SHARED((N_PAD, GW), jnp.float32),
        pltpu.SemaphoreType.DMA,
        pltpu.SemaphoreType.DMA,
    ],
)
def _sc_spmv64(src, dst, xin, zer, ost,
               is2, id2, rw2, acc, gA, gB):
    c = lax.axis_index("c")
    s = lax.axis_index("s")
    e_per_tile = N_EDGES // 16
    for p in range(2):
        g = 2 * p + c
        _zero_acc_slice(zer, acc, s)
        plsc.subcore_barrier()
        _edge_chunks(src, dst, xin.at[g], is2, id2, rw2, gA, gB, acc,
                     s * e_per_tile, K2, e_per_tile // K2)
        plsc.subcore_barrier()
        _flush_acc_slice(acc, ost.at[g], s)
        plsc.subcore_barrier()


NB = 2000


def _tc1_body(p, w1, b1, xfull, gout):
    a = p[0] + p[1]
    y = jnp.maximum(a * w1[...] + b1[...], 0.0)
    xfull[...] = y
    for i in range(NG):
        gout[i] = y[:, i * GW:(i + 1) * GW]


def _tc2_body(xf, ain, w2, b2, gout):
    acat = jnp.concatenate([ain[i] for i in range(NG)], axis=1)
    y = jnp.dot(acat, w2[...], preferred_element_type=jnp.float32)
    y = jnp.maximum(xf[...] + y + b2[...], 0.0)
    for i in range(NG):
        gout[i] = y[:, i * GW:(i + 1) * GW]


def _tc3_body(ain, w3, b3, o):
    acat = jnp.concatenate([ain[i] for i in range(NG)], axis=1)
    o[...] = jnp.dot(acat, w3[...], preferred_element_type=jnp.float32) + b3[...]


def _row_spec(cols):
    return pl.BlockSpec((NB, cols), lambda i: (i, 0))


def _full_spec(r, cols):
    return pl.BlockSpec((r, cols), lambda i: (0, 0))


_GRID = (N_NODES // NB,)

_P_SPEC = pl.BlockSpec((2, NB, 1), lambda i: (0, i, 0))
_G_SPEC = pl.BlockSpec((NG, NB, GW), lambda i: (0, i, 0))

_tc1 = pl.pallas_call(
    _tc1_body,
    grid=_GRID,
    in_specs=[_P_SPEC, _full_spec(1, 64), _full_spec(1, 64)],
    out_specs=[_row_spec(64), _G_SPEC],
    out_shape=[jax.ShapeDtypeStruct((N_NODES, 64), jnp.float32),
               jax.ShapeDtypeStruct((NG, N_NODES, GW), jnp.float32)],
)

_tc2 = pl.pallas_call(
    _tc2_body,
    grid=_GRID,
    in_specs=[_row_spec(64), _G_SPEC, _full_spec(64, 64), _full_spec(1, 64)],
    out_specs=_G_SPEC,
    out_shape=jax.ShapeDtypeStruct((NG, N_NODES, GW), jnp.float32),
)

_tc3 = pl.pallas_call(
    _tc3_body,
    grid=_GRID,
    in_specs=[_G_SPEC, _full_spec(64, 128), _full_spec(1, 128)],
    out_specs=_row_spec(128),
    out_shape=jax.ShapeDtypeStruct((N_NODES, 128), jnp.float32),
)


def kernel(features, edge_index, W1, b1, W2, b2, W3, b3):
    src = edge_index[0].astype(jnp.int32)
    dst = edge_index[1].astype(jnp.int32)
    zer = jnp.zeros((N_PAD, GW), jnp.float32)
    zer1 = jnp.zeros((N_PAD,), jnp.float32)
    p = _sc_spmv1(src, dst, features.reshape(N_NODES), zer1)
    x1full, x1g = _tc1(p.reshape(2, N_NODES, 1), W1, b1.reshape(1, 64))
    b2r = b2.reshape(1, 64)

    def layer_body(i, carry):
        xg, _ = carry
        ag = _sc_spmv64(src, dst, xg, zer)
        xg_next = _tc2(x1full, ag, W2, b2r)
        return (xg_next, ag)

    _, a3g = lax.fori_loop(0, 2, layer_body, (x1g, x1g))
    return _tc3(a3g, W3, b3.reshape(1, 128))

# --- scband reference (transcript-rebuilt; emitter-appended) ---
"""Pipeline reference for scband-gcn-res-25134148616264 (READ-ONLY COPY).

The authoritative reference and input builder live on the scoring server;
editing this copy changes nothing except your own understanding.
"""

import jax, jax.numpy as jnp
import numpy as np

N_NODES = 100000
N_EDGES = 1600000

def setup_inputs(seed: int = 0) -> dict:
    key = jax.random.key(seed)
    ks = jax.random.split(key, 8)
    features = jax.random.normal(ks[0], (N_NODES, 1), dtype=jnp.float32)
    edge_index = jax.random.randint(ks[1], (2, N_EDGES), 0, N_NODES, dtype=jnp.int64)
    W1 = jax.random.normal(ks[2], (1, 64), dtype=jnp.float32) * 0.5
    b1 = jnp.zeros((64,), dtype=jnp.float32)
    W2 = jax.random.normal(ks[3], (64, 64), dtype=jnp.float32) * 0.125
    b2 = jnp.zeros((64,), dtype=jnp.float32)
    W3 = jax.random.normal(ks[4], (64, 128), dtype=jnp.float32) * 0.125
    b3 = jnp.zeros((128,), dtype=jnp.float32)
    return {"features": features, "edge_index": edge_index, "W1": W1, "b1": b1, "W2": W2, "b2": b2, "W3": W3, "b3": b3}

def _gcn_layer(x, src, dst, W, b):
    # DGL update_all(copy_src('h'), sum('m')): dst node sums features of its in-edge sources
    msgs = jnp.take(x, src, axis=0)
    agg = jax.ops.segment_sum(msgs, dst, num_segments=N_NODES)
    return agg @ W + b

def reference(features, edge_index, W1, b1, W2, b2, W3, b3):
    src = edge_index[0]
    dst = edge_index[1]
    # dropout layers are identity in eval mode
    x = jax.nn.relu(_gcn_layer(features, src, dst, W1, b1))
    newx = _gcn_layer(x, src, dst, W2, b2)
    x = jax.nn.relu(x + newx)
    x = _gcn_layer(x, src, dst, W3, b3)
    return x

if __name__ == "__main__":
    import jax
    _d = setup_inputs()
    print(jax.jit(kernel)(*tuple(_d.values())))

</pallas_src>

<mosaic_0001>
#map = affine_map<(d0, d1) -> (0)>
#map1 = affine_map<(d0, d1) -> (0, 0)>
module attributes {stable_mosaic.version = 14 : i64} {
  func.func @_sc_spmv1(%arg0: i32, %arg1: i32, %arg2: memref<1600000xi32, #tpu.memory_space<hbm>>, %arg3: memref<1600000xi32, #tpu.memory_space<hbm>>, %arg4: memref<100000xf32, #tpu.memory_space<hbm>>, %arg5: memref<100096xf32, #tpu.memory_space<hbm>>, %arg6: memref<2x100000xf32, #tpu.memory_space<hbm>>, %arg7: memref<2x1000xi32, #tpu.memory_space<vmem>>, %arg8: memref<2x1000xi32, #tpu.memory_space<vmem>>, %arg9: memref<2x1000xf32, #tpu.memory_space<vmem>>, %arg10: memref<100096xf32, #tpu.memory_space<vmem_shared>>, %arg11: memref<!tpu.dma_semaphore, #tpu.memory_space<semaphore_mem>>, %arg12: memref<!tpu.dma_semaphore, #tpu.memory_space<semaphore_mem>>) attributes {dimension_semantics = [#tpu.dimension_semantics<core_parallel>, #tpu.dimension_semantics<subcore_parallel>], iteration_bounds = array<i64: 2, 16>, scalar_prefetch = 0 : i64, scratch_operands = 6 : i64, tpu.core_type = #tpu.core_type<sc_vector_subcore>, window_params = [{transform_indices = #map}, {transform_indices = #map}, {transform_indices = #map}, {transform_indices = #map}, {transform_indices = #map1}]} {
    %mul3A = arith.constant 6256 : i32
    %mul3A_0 = arith.muli %arg1, %mul3A : i32
    "tpu.region"() ({
      %run_scoped3A_29 = tpu.sem_alloc : memref<!tpu.dma_semaphore, #tpu.memory_space<semaphore_mem>>
      %dma_start3A_30 = tpu.memref_slice %arg10[%mul3A_0] : memref<100096xf32, #tpu.memory_space<vmem_shared>> -> memref<6256xf32, #tpu.memory_space<vmem_shared>>
      %dma_start3A_31 = tpu.memref_slice %arg5[%mul3A_0] : memref<100096xf32, #tpu.memory_space<hbm>> -> memref<6256xf32, #tpu.memory_space<hbm>>
      tpu.enqueue_dma source(%dma_start3A_31 : memref<6256xf32, #tpu.memory_space<hbm>>) target(%dma_start3A_30 : memref<6256xf32, #tpu.memory_space<vmem_shared>>) target_semaphore(%run_scoped3A_29 : memref<!tpu.dma_semaphore, #tpu.memory_space<semaphore_mem>>)
      %dma_wait3A = tpu.memref_slice %arg10[%mul3A_0] : memref<100096xf32, #tpu.memory_space<vmem_shared>> -> memref<6256xf32, #tpu.memory_space<vmem_shared>>
      %dma_wait3A_32 = tpu.memref_slice %arg5[%mul3A_0] : memref<100096xf32, #tpu.memory_space<hbm>> -> memref<6256xf32, #tpu.memory_space<hbm>>
      tpu.wait_dma2 semaphore(%run_scoped3A_29 : memref<!tpu.dma_semaphore, #tpu.memory_space<semaphore_mem>>) src(%dma_wait3A_32 : memref<6256xf32, #tpu.memory_space<hbm>>) dst(%dma_wait3A : memref<6256xf32, #tpu.memory_space<vmem_shared>>)
      tpu.yield
    }) : () -> ()
    %barrier3A = arith.constant 0 : index
    tpu.barrier barrier_id(%barrier3A)
    %mul3A_1 = arith.constant 16 : i32
    %mul3A_2 = arith.muli %arg0, %mul3A_1 : i32
    %add3A = arith.addi %mul3A_2, %arg1 : i32
    %mul3A_3 = arith.constant 50000 : i32
    %mul3A_4 = arith.muli %add3A, %mul3A_3 : i32
    %add3A_5 = arith.constant 0 : i32
    %add3A_6 = arith.addi %mul3A_4, %add3A_5 : i32
    %run_scoped3A = arith.constant 0 : i32
    "tpu.region"() ({
      %run_scoped3A_29 = tpu.sem_alloc : memref<!tpu.dma_semaphore, #tpu.memory_space<semaphore_mem>>
      %dma_start3A_30 = arith.constant 0 : i32
      %dma_start3A_31 = tpu.memref_slice %arg7[%run_scoped3A, %dma_start3A_30] : memref<2x1000xi32, #tpu.memory_space<vmem>> -> memref<1x1000xi32, #tpu.memory_space<vmem>>
      %dma_start3A_32 = tpu.memref_squeeze %dma_start3A_31 : memref<1x1000xi32, #tpu.memory_space<vmem>> -> memref<1000xi32, #tpu.memory_space<vmem>>
      %dma_start3A_33 = tpu.memref_slice %arg2[%add3A_6] : memref<1600000xi32, #tpu.memory_space<hbm>> -> memref<1000xi32, #tpu.memory_space<hbm>>
      %dma_start3A_34 = arith.constant 0 : i32
      %dma_start3A_35 = tpu.memref_slice %arg7[%run_scoped3A, %dma_start3A_34] : memref<2x1000xi32, #tpu.memory_space<vmem>> -> memref<1x1000xi32, #tpu.memory_space<vmem>>
      %dma_start3A_36 = tpu.memref_squeeze %dma_start3A_35 : memref<1x1000xi32, #tpu.memory_space<vmem>> -> memref<1000xi32, #tpu.memory_space<vmem>>
      %dma_start3A_37 = tpu.memref_slice %arg2[%add3A_6] : memref<1600000xi32, #tpu.memory_space<hbm>> -> memref<1000xi32, #tpu.memory_space<hbm>>
      tpu.enqueue_dma source(%dma_start3A_37 : memref<1000xi32, #tpu.memory_space<hbm>>) target(%dma_start3A_36 : memref<1000xi32, #tpu.memory_space<vmem>>) target_semaphore(%run_scoped3A_29 : memref<!tpu.dma_semaphore, #tpu.memory_space<semaphore_mem>>)
      %dma_wait3A = arith.constant 0 : i32
      %dma_wait3A_38 = tpu.memref_slice %arg7[%run_scoped3A, %dma_wait3A] : memref<2x1000xi32, #tpu.memory_space<vmem>> -> memref<1x1000xi32, #tpu.memory_space<vmem>>
      %dma_wait3A_39 = tpu.memref_squeeze %dma_wait3A_38 : memref<1x1000xi32, #tpu.memory_space<vmem>> -> memref<1000xi32, #tpu.memory_space<vmem>>
      %dma_wait3A_40 = tpu.memref_slice %arg2[%add3A_6] : memref<1600000xi32, #tpu.memory_space<hbm>> -> memref<1000xi32, #tpu.memory_space<hbm>>
      %dma_wait3A_41 = arith.constant 0 : i32
      %dma_wait3A_42 = tpu.memref_slice %arg7[%run_scoped3A, %dma_wait3A_41] : memref<2x1000xi32, #tpu.memory_space<vmem>> -> memref<1x1000xi32, #tpu.memory_space<vmem>>
      %dma_wait3A_43 = tpu.memref_squeeze %dma_wait3A_42 : memref<1x1000xi32, #tpu.memory_space<vmem>> -> memref<1000xi32, #tpu.memory_space<vmem>>
      %dma_wait3A_44 = tpu.memref_slice %arg2[%add3A_6] : memref<1600000xi32, #tpu.memory_space<hbm>> -> memref<1000xi32, #tpu.memory_space<hbm>>
      tpu.wait_dma2 semaphore(%run_scoped3A_29 : memref<!tpu.dma_semaphore, #tpu.memory_space<semaphore_mem>>) src(%dma_wait3A_44 : memref<1000xi32, #tpu.memory_space<hbm>>) dst(%dma_wait3A_43 : memref<1000xi32, #tpu.memory_space<vmem>>)
      tpu.yield
    }) : () -> ()
    %run_scoped3A_7 = arith.constant 0 : i32
    "tpu.region"() ({
      %run_scoped3A_29 = tpu.sem_alloc : memref<!tpu.dma_semaphore, #tpu.memory_space<semaphore_mem>>
      %dma_start3A_30 = arith.constant 0 : i32
      %dma_start3A_31 = tpu.memref_slice %arg8[%run_scoped3A_7, %dma_start3A_30] : memref<2x1000xi32, #tpu.memory_space<vmem>> -> memref<1x1000xi32, #tpu.memory_space<vmem>>
      %dma_start3A_32 = tpu.memref_squeeze %dma_start3A_31 : memref<1x1000xi32, #tpu.memory_space<vmem>> -> memref<1000xi32, #tpu.memory_space<vmem>>
      %dma_start3A_33 = tpu.memref_slice %arg3[%add3A_6] : memref<1600000xi32, #tpu.memory_space<hbm>> -> memref<1000xi32, #tpu.memory_space<hbm>>
      %dma_start3A_34 = arith.constant 0 : i32
      %dma_start3A_35 = tpu.memref_slice %arg8[%run_scoped3A_7, %dma_start3A_34] : memref<2x1000xi32, #tpu.memory_space<vmem>> -> memref<1x1000xi32, #tpu.memory_space<vmem>>
      %dma_start3A_36 = tpu.memref_squeeze %dma_start3A_35 : memref<1x1000xi32, #tpu.memory_space<vmem>> -> memref<1000xi32, #tpu.memory_space<vmem>>
      %dma_start3A_37 = tpu.memref_slice %arg3[%add3A_6] : memref<1600000xi32, #tpu.memory_space<hbm>> -> memref<1000xi32, #tpu.memory_space<hbm>>
      tpu.enqueue_dma source(%dma_start3A_37 : memref<1000xi32, #tpu.memory_space<hbm>>) target(%dma_start3A_36 : memref<1000xi32, #tpu.memory_space<vmem>>) target_semaphore(%run_scoped3A_29 : memref<!tpu.dma_semaphore, #tpu.memory_space<semaphore_mem>>)
      %dma_wait3A = arith.constant 0 : i32
      %dma_wait3A_38 = tpu.memref_slice %arg8[%run_scoped3A_7, %dma_wait3A] : memref<2x1000xi32, #tpu.memory_space<vmem>> -> memref<1x1000xi32, #tpu.memory_space<vmem>>
      %dma_wait3A_39 = tpu.memref_squeeze %dma_wait3A_38 : memref<1x1000xi32, #tpu.memory_space<vmem>> -> memref<1000xi32, #tpu.memory_space<vmem>>
      %dma_wait3A_40 = tpu.memref_slice %arg3[%add3A_6] : memref<1600000xi32, #tpu.memory_space<hbm>> -> memref<1000xi32, #tpu.memory_space<hbm>>
      %dma_wait3A_41 = arith.constant 0 : i32
      %dma_wait3A_42 = tpu.memref_slice %arg8[%run_scoped3A_7, %dma_wait3A_41] : memref<2x1000xi32, #tpu.memory_space<vmem>> -> memref<1x1000xi32, #tpu.memory_space<vmem>>
      %dma_wait3A_43 = tpu.memref_squeeze %dma_wait3A_42 : memref<1x1000xi32, #tpu.memory_space<vmem>> -> memref<1000xi32, #tpu.memory_space<vmem>>
      %dma_wait3A_44 = tpu.memref_slice %arg3[%add3A_6] : memref<1600000xi32, #tpu.memory_space<hbm>> -> memref<1000xi32, #tpu.memory_space<hbm>>
      tpu.wait_dma2 semaphore(%run_scoped3A_29 : memref<!tpu.dma_semaphore, #tpu.memory_space<semaphore_mem>>) src(%dma_wait3A_44 : memref<1000xi32, #tpu.memory_space<hbm>>) dst(%dma_wait3A_43 : memref<1000xi32, #tpu.memory_space<vmem>>)
      tpu.yield
    }) : () -> ()
    %dma_start3A = arith.constant 0 : i32
    %dma_start3A_8 = arith.constant 0 : i32
    %dma_start3A_9 = arith.constant 0 : i32
    %dma_start3A_10 = tpu.memref_slice %arg9[%dma_start3A_8, %dma_start3A_9] : memref<2x1000xf32, #tpu.memory_space<vmem>> -> memref<1x1000xf32, #tpu.memory_space<vmem>>
    %dma_start3A_11 = tpu.memref_squeeze %dma_start3A_10 : memref<1x1000xf32, #tpu.memory_space<vmem>> -> memref<1000xf32, #tpu.memory_space<vmem>>
    %dma_start3A_12 = arith.constant 0 : i32
    %dma_start3A_13 = tpu.memref_slice %arg7[%dma_start3A, %dma_start3A_12] : memref<2x1000xi32, #tpu.memory_space<vmem>> -> memref<1x1000xi32, #tpu.memory_space<vmem>>
    %dma_start3A_14 = tpu.memref_squeeze %dma_start3A_13 : memref<1x1000xi32, #tpu.memory_space<vmem>> -> memref<1000xi32, #tpu.memory_space<vmem>>
    %dma_start3A_15 = arith.constant 0 : i32
    %dma_start3A_16 = tpu.memref_slice %arg4[%dma_start3A_15] : memref<100000xf32, #tpu.memory_space<hbm>> -> memref<100000xf32, #tpu.memory_space<hbm>>
    tpu.enqueue_indirect_dma source(%dma_start3A_16 : memref<100000xf32, #tpu.memory_space<hbm>>) target(%dma_start3A_11 : memref<1000xf32, #tpu.memory_space<vmem>>) offsets(%dma_start3A_14 : memref<1000xi32, #tpu.memory_space<vmem>>) semaphore(%arg11 : memref<!tpu.dma_semaphore, #tpu.memory_space<semaphore_mem>>)
    %scan3A = arith.constant 0 : i32
    %scan3A_17 = arith.constant 0 : i32
    %scan3A_18 = arith.constant 50 : i32
    %scan3A_19 = arith.addi %scan3A_17, %scan3A_18 : i32
    %scan3A_20 = arith.constant 1 : i32
    scf.for %scan3A_29 = %scan3A_17 to %scan3A_19 step %scan3A_20  : i32 {
      %jit3A = arith.constant 2 : i32
      %eq3A_30 = arith.constant 0 : i32
      %eq3A_31 = arith.cmpi eq, %jit3A, %eq3A_30 : i32
      %jit3A_32 = arith.constant 1 : i32
      %select_n3A = arith.select %eq3A_31, %jit3A_32, %jit3A : i32
      %rem3A = arith.remsi %scan3A_29, %select_n3A : i32
      %ne3A = arith.constant 0 : i32
      %ne3A_33 = arith.cmpi ne, %rem3A, %ne3A : i32
      %lt3A_34 = arith.constant 0 : i32
      %lt3A_35 = arith.cmpi slt, %rem3A, %lt3A_34 : i32
      %lt3A_36 = arith.constant 0 : i32
      %lt3A_37 = arith.cmpi slt, %select_n3A, %lt3A_36 : i32
      %ne3A_38 = arith.xori %lt3A_35, %lt3A_37 : i1
      %and3A = arith.andi %ne3A_38, %ne3A_33 : i1
      %add3A_39 = arith.addi %rem3A, %select_n3A : i32
      %select_n3A_40 = arith.select %and3A, %add3A_39, %rem3A : i32
      %eq3A_41 = arith.constant 0 : i32
      %eq3A_42 = arith.cmpi eq, %select_n3A_40, %eq3A_41 : i32
      %convert_element_type3A_43 = arith.extui %eq3A_42 : i1 to i32
      %cond3A_44 = arith.constant 0 : i32
      %cond3A_45 = arith.cmpi ne, %convert_element_type3A_43, %cond3A_44 : i32
      scf.if %cond3A_45 {
        %add3A_51 = arith.constant 1 : i32
        %add3A_52 = arith.addi %scan3A_29, %add3A_51 : i32
        %lt3A_53 = arith.constant 50 : i32
        %lt3A_54 = arith.cmpi slt, %add3A_52, %lt3A_53 : i32
        %convert_element_type3A_55 = arith.extui %lt3A_54 : i1 to i32
        %cond3A_56 = arith.constant 0 : i32
        %cond3A_57 = arith.cmpi ne, %convert_element_type3A_55, %cond3A_56 : i32
        scf.if %cond3A_57 {
          %add3A_67 = arith.constant 1 : i32
          %add3A_68 = arith.addi %scan3A_29, %add3A_67 : i32
          %mul3A_69 = arith.constant 1000 : i32
          %mul3A_70 = arith.muli %add3A_68, %mul3A_69 : i32
          %add3A_71 = arith.addi %mul3A_4, %mul3A_70 : i32
          %run_scoped3A_72 = arith.constant 1 : i32
          "tpu.region"() ({
            %run_scoped3A_84 = tpu.sem_alloc : memref<!tpu.dma_semaphore, #tpu.memory_space<semaphore_mem>>
            %dma_start3A_85 = arith.constant 0 : i32
            %dma_start3A_86 = tpu.memref_slice %arg7[%run_scoped3A_72, %dma_start3A_85] : memref<2x1000xi32, #tpu.memory_space<vmem>> -> memref<1x1000xi32, #tpu.memory_space<vmem>>
            %dma_start3A_87 = tpu.memref_squeeze %dma_start3A_86 : memref<1x1000xi32, #tpu.memory_space<vmem>> -> memref<1000xi32, #tpu.memory_space<vmem>>
            %dma_start3A_88 = tpu.memref_slice %arg2[%add3A_71] : memref<1600000xi32, #tpu.memory_space<hbm>> -> memref<1000xi32, #tpu.memory_space<hbm>>
            %dma_start3A_89 = arith.constant 0 : i32
            %dma_start3A_90 = tpu.memref_slice %arg7[%run_scoped3A_72, %dma_start3A_89] : memref<2x1000xi32, #tpu.memory_space<vmem>> -> memref<1x1000xi32, #tpu.memory_space<vmem>>
            %dma_start3A_91 = tpu.memref_squeeze %dma_start3A_90 : memref<1x1000xi32, #tpu.memory_space<vmem>> -> memref<1000xi32, #tpu.memory_space<vmem>>
            %dma_start3A_92 = tpu.memref_slice %arg2[%add3A_71] : memref<1600000xi32, #tpu.memory_space<hbm>> -> memref<1000xi32, #tpu.memory_space<hbm>>
            tpu.enqueue_dma source(%dma_start3A_92 : memref<1000xi32, #tpu.memory_space<hbm>>) target(%dma_start3A_91 : memref<1000xi32, #tpu.memory_space<vmem>>) target_semaphore(%run_scoped3A_84 : memref<!tpu.dma_semaphore, #tpu.memory_space<semaphore_mem>>)
            %dma_wait3A_93 = arith.constant 0 : i32
            %dma_wait3A_94 = tpu.memref_slice %arg7[%run_scoped3A_72, %dma_wait3A_93] : memref<2x1000xi32, #tpu.memory_space<vmem>> -> memref<1x1000xi32, #tpu.memory_space<vmem>>
            %dma_wait3A_95 = tpu.memref_squeeze %dma_wait3A_94 : memref<1x1000xi32, #tpu.memory_space<vmem>> -> memref<1000xi32, #tpu.memory_space<vmem>>
            %dma_wait3A_96 = tpu.memref_slice %arg2[%add3A_71] : memref<1600000xi32, #tpu.memory_space<hbm>> -> memref<1000xi32, #tpu.memory_space<hbm>>
            %dma_wait3A_97 = arith.constant 0 : i32
            %dma_wait3A_98 = tpu.memref_slice %arg7[%run_scoped3A_72, %dma_wait3A_97] : memref<2x1000xi32, #tpu.memory_space<vmem>> -> memref<1x1000xi32, #tpu.memory_space<vmem>>
            %dma_wait3A_99 = tpu.memref_squeeze %dma_wait3A_98 : memref<1x1000xi32, #tpu.memory_space<vmem>> -> memref<1000xi32, #tpu.memory_space<vmem>>
            %dma_wait3A_100 = tpu.memref_slice %arg2[%add3A_71] : memref<1600000xi32, #tpu.memory_space<hbm>> -> memref<1000xi32, #tpu.memory_space<hbm>>
            tpu.wait_dma2 semaphore(%run_scoped3A_84 : memref<!tpu.dma_semaphore, #tpu.memory_space<semaphore_mem>>) src(%dma_wait3A_100 : memref<1000xi32, #tpu.memory_space<hbm>>) dst(%dma_wait3A_99 : memref<1000xi32, #tpu.memory_space<vmem>>)
            tpu.yield
          }) : () -> ()
          %run_scoped3A_73 = arith.constant 1 : i32
          "tpu.region"() ({
            %run_scoped3A_84 = tpu.sem_alloc : memref<!tpu.dma_semaphore, #tpu.memory_space<semaphore_mem>>
            %dma_start3A_85 = arith.constant 0 : i32
            %dma_start3A_86 = tpu.memref_slice %arg8[%run_scoped3A_73, %dma_start3A_85] : memref<2x1000xi32, #tpu.memory_space<vmem>> -> memref<1x1000xi32, #tpu.memory_space<vmem>>
            %dma_start3A_87 = tpu.memref_squeeze %dma_start3A_86 : memref<1x1000xi32, #tpu.memory_space<vmem>> -> memref<1000xi32, #tpu.memory_space<vmem>>
            %dma_start3A_88 = tpu.memref_slice %arg3[%add3A_71] : memref<1600000xi32, #tpu.memory_space<hbm>> -> memref<1000xi32, #tpu.memory_space<hbm>>
            %dma_start3A_89 = arith.constant 0 : i32
            %dma_start3A_90 = tpu.memref_slice %arg8[%run_scoped3A_73, %dma_start3A_89] : memref<2x1000xi32, #tpu.memory_space<vmem>> -> memref<1x1000xi32, #tpu.memory_space<vmem>>
            %dma_start3A_91 = tpu.memref_squeeze %dma_start3A_90 : memref<1x1000xi32, #tpu.memory_space<vmem>> -> memref<1000xi32, #tpu.memory_space<vmem>>
            %dma_start3A_92 = tpu.memref_slice %arg3[%add3A_71] : memref<1600000xi32, #tpu.memory_space<hbm>> -> memref<1000xi32, #tpu.memory_space<hbm>>
            tpu.enqueue_dma source(%dma_start3A_92 : memref<1000xi32, #tpu.memory_space<hbm>>) target(%dma_start3A_91 : memref<1000xi32, #tpu.memory_space<vmem>>) target_semaphore(%run_scoped3A_84 : memref<!tpu.dma_semaphore, #tpu.memory_space<semaphore_mem>>)
            %dma_wait3A_93 = arith.constant 0 : i32
            %dma_wait3A_94 = tpu.memref_slice %arg8[%run_scoped3A_73, %dma_wait3A_93] : memref<2x1000xi32, #tpu.memory_space<vmem>> -> memref<1x1000xi32, #tpu.memory_space<vmem>>
            %dma_wait3A_95 = tpu.memref_squeeze %dma_wait3A_94 : memref<1x1000xi32, #tpu.memory_space<vmem>> -> memref<1000xi32, #tpu.memory_space<vmem>>
            %dma_wait3A_96 = tpu.memref_slice %arg3[%add3A_71] : memref<1600000xi32, #tpu.memory_space<hbm>> -> memref<1000xi32, #tpu.memory_space<hbm>>
            %dma_wait3A_97 = arith.constant 0 : i32
            %dma_wait3A_98 = tpu.memref_slice %arg8[%run_scoped3A_73, %dma_wait3A_97] : memref<2x1000xi32, #tpu.memory_space<vmem>> -> memref<1x1000xi32, #tpu.memory_space<vmem>>
            %dma_wait3A_99 = tpu.memref_squeeze %dma_wait3A_98 : memref<1x1000xi32, #tpu.memory_space<vmem>> -> memref<1000xi32, #tpu.memory_space<vmem>>
            %dma_wait3A_100 = tpu.memref_slice %arg3[%add3A_71] : memref<1600000xi32, #tpu.memory_space<hbm>> -> memref<1000xi32, #tpu.memory_space<hbm>>
            tpu.wait_dma2 semaphore(%run_scoped3A_84 : memref<!tpu.dma_semaphore, #tpu.memory_space<semaphore_mem>>) src(%dma_wait3A_100 : memref<1000xi32, #tpu.memory_space<hbm>>) dst(%dma_wait3A_99 : memref<1000xi32, #tpu.memory_space<vmem>>)
            tpu.yield
          }) : () -> ()
          %dma_start3A_74 = arith.constant 1 : i32
          %dma_start3A_75 = arith.constant 1 : i32
          %dma_start3A_76 = arith.constant 0 : i32
          %dma_start3A_77 = tpu.memref_slice %arg9[%dma_start3A_75, %dma_start3A_76] : memref<2x1000xf32, #tpu.memory_space<vmem>> -> memref<1x1000xf32, #tpu.memory_space<vmem>>
          %dma_start3A_78 = tpu.memref_squeeze %dma_start3A_77 : memref<1x1000xf32, #tpu.memory_space<vmem>> -> memref<1000xf32, #tpu.memory_space<vmem>>
          %dma_start3A_79 = arith.constant 0 : i32
          %dma_start3A_80 = tpu.memref_slice %arg7[%dma_start3A_74, %dma_start3A_79] : memref<2x1000xi32, #tpu.memory_space<vmem>> -> memref<1x1000xi32, #tpu.memory_space<vmem>>
          %dma_start3A_81 = tpu.memref_squeeze %dma_start3A_80 : memref<1x1000xi32, #tpu.memory_space<vmem>> -> memref<1000xi32, #tpu.memory_space<vmem>>
          %dma_start3A_82 = arith.constant 0 : i32
          %dma_start3A_83 = tpu.memref_slice %arg4[%dma_start3A_82] : memref<100000xf32, #tpu.memory_space<hbm>> -> memref<100000xf32, #tpu.memory_space<hbm>>
          tpu.enqueue_indirect_dma source(%dma_start3A_83 : memref<100000xf32, #tpu.memory_space<hbm>>) target(%dma_start3A_78 : memref<1000xf32, #tpu.memory_space<vmem>>) offsets(%dma_start3A_81 : memref<1000xi32, #tpu.memory_space<vmem>>) semaphore(%arg12 : memref<!tpu.dma_semaphore, #tpu.memory_space<semaphore_mem>>)
        } else {
        }
        %dma_wait3A = arith.constant 0 : i32
        %dma_wait3A_58 = arith.constant 0 : i32
        %dma_wait3A_59 = arith.constant 0 : i32
        %dma_wait3A_60 = tpu.memref_slice %arg9[%dma_wait3A_58, %dma_wait3A_59] : memref<2x1000xf32, #tpu.memory_space<vmem>> -> memref<1x1000xf32, #tpu.memory_space<vmem>>
        %dma_wait3A_61 = tpu.memref_squeeze %dma_wait3A_60 : memref<1x1000xf32, #tpu.memory_space<vmem>> -> memref<1000xf32, #tpu.memory_space<vmem>>
        %dma_wait3A_62 = arith.constant 0 : i32
        %dma_wait3A_63 = tpu.memref_slice %arg7[%dma_wait3A, %dma_wait3A_62] : memref<2x1000xi32, #tpu.memory_space<vmem>> -> memref<1x1000xi32, #tpu.memory_space<vmem>>
        %dma_wait3A_64 = tpu.memref_squeeze %dma_wait3A_63 : memref<1x1000xi32, #tpu.memory_space<vmem>> -> memref<1000xi32, #tpu.memory_space<vmem>>
        %dma_wait3A_65 = arith.constant 0 : i32
        %dma_wait3A_66 = tpu.memref_slice %arg4[%dma_wait3A_65] : memref<100000xf32, #tpu.memory_space<hbm>> -> memref<100000xf32, #tpu.memory_space<hbm>>
        tpu.wait_indirect_dma semaphore(%arg11 : memref<!tpu.dma_semaphore, #tpu.memory_space<semaphore_mem>>) src(%dma_wait3A_66 : memref<100000xf32, #tpu.memory_space<hbm>>) dst(%dma_wait3A_61 : memref<1000xf32, #tpu.memory_space<vmem>>)
      } else {
      }
      %eq3A_46 = arith.constant 1 : i32
      %eq3A_47 = arith.cmpi eq, %select_n3A_40, %eq3A_46 : i32
      %convert_element_type3A_48 = arith.extui %eq3A_47 : i1 to i32
      %cond3A_49 = arith.constant 0 : i32
      %cond3A_50 = arith.cmpi ne, %convert_element_type3A_48, %cond3A_49 : i32
      scf.if %cond3A_50 {
        %add3A_51 = arith.constant 1 : i32
        %add3A_52 = arith.addi %scan3A_29, %add3A_51 : i32
        %lt3A_53 = arith.constant 50 : i32
        %lt3A_54 = arith.cmpi slt, %add3A_52, %lt3A_53 : i32
        %convert_element_type3A_55 = arith.extui %lt3A_54 : i1 to i32
        %cond3A_56 = arith.constant 0 : i32
        %cond3A_57 = arith.cmpi ne, %convert_element_type3A_55, %cond3A_56 : i32
        scf.if %cond3A_57 {
          %add3A_67 = arith.constant 1 : i32
          %add3A_68 = arith.addi %scan3A_29, %add3A_67 : i32
          %mul3A_69 = arith.constant 1000 : i32
          %mul3A_70 = arith.muli %add3A_68, %mul3A_69 : i32
          %add3A_71 = arith.addi %mul3A_4, %mul3A_70 : i32
          %run_scoped3A_72 = arith.constant 0 : i32
          "tpu.region"() ({
            %run_scoped3A_84 = tpu.sem_alloc : memref<!tpu.dma_semaphore, #tpu.memory_space<semaphore_mem>>
            %dma_start3A_85 = arith.constant 0 : i32
            %dma_start3A_86 = tpu.memref_slice %arg7[%run_scoped3A_72, %dma_start3A_85] : memref<2x1000xi32, #tpu.memory_space<vmem>> -> memref<1x1000xi32, #tpu.memory_space<vmem>>
            %dma_start3A_87 = tpu.memref_squeeze %dma_start3A_86 : memref<1x1000xi32, #tpu.memory_space<vmem>> -> memref<1000xi32, #tpu.memory_space<vmem>>
            %dma_start3A_88 = tpu.memref_slice %arg2[%add3A_71] : memref<1600000xi32, #tpu.memory_space<hbm>> -> memref<1000xi32, #tpu.memory_space<hbm>>
            %dma_start3A_89 = arith.constant 0 : i32
            %dma_start3A_90 = tpu.memref_slice %arg7[%run_scoped3A_72, %dma_start3A_89] : memref<2x1000xi32, #tpu.memory_space<vmem>> -> memref<1x1000xi32, #tpu.memory_space<vmem>>
            %dma_start3A_91 = tpu.memref_squeeze %dma_start3A_90 : memref<1x1000xi32, #tpu.memory_space<vmem>> -> memref<1000xi32, #tpu.memory_space<vmem>>
            %dma_start3A_92 = tpu.memref_slice %arg2[%add3A_71] : memref<1600000xi32, #tpu.memory_space<hbm>> -> memref<1000xi32, #tpu.memory_space<hbm>>
            tpu.enqueue_dma source(%dma_start3A_92 : memref<1000xi32, #tpu.memory_space<hbm>>) target(%dma_start3A_91 : memref<1000xi32, #tpu.memory_space<vmem>>) target_semaphore(%run_scoped3A_84 : memref<!tpu.dma_semaphore, #tpu.memory_space<semaphore_mem>>)
            %dma_wait3A_93 = arith.constant 0 : i32
            %dma_wait3A_94 = tpu.memref_slice %arg7[%run_scoped3A_72, %dma_wait3A_93] : memref<2x1000xi32, #tpu.memory_space<vmem>> -> memref<1x1000xi32, #tpu.memory_space<vmem>>
            %dma_wait3A_95 = tpu.memref_squeeze %dma_wait3A_94 : memref<1x1000xi32, #tpu.memory_space<vmem>> -> memref<1000xi32, #tpu.memory_space<vmem>>
            %dma_wait3A_96 = tpu.memref_slice %arg2[%add3A_71] : memref<1600000xi32, #tpu.memory_space<hbm>> -> memref<1000xi32, #tpu.memory_space<hbm>>
            %dma_wait3A_97 = arith.constant 0 : i32
            %dma_wait3A_98 = tpu.memref_slice %arg7[%run_scoped3A_72, %dma_wait3A_97] : memref<2x1000xi32, #tpu.memory_space<vmem>> -> memref<1x1000xi32, #tpu.memory_space<vmem>>
            %dma_wait3A_99 = tpu.memref_squeeze %dma_wait3A_98 : memref<1x1000xi32, #tpu.memory_space<vmem>> -> memref<1000xi32, #tpu.memory_space<vmem>>
            %dma_wait3A_100 = tpu.memref_slice %arg2[%add3A_71] : memref<1600000xi32, #tpu.memory_space<hbm>> -> memref<1000xi32, #tpu.memory_space<hbm>>
            tpu.wait_dma2 semaphore(%run_scoped3A_84 : memref<!tpu.dma_semaphore, #tpu.memory_space<semaphore_mem>>) src(%dma_wait3A_100 : memref<1000xi32, #tpu.memory_space<hbm>>) dst(%dma_wait3A_99 : memref<1000xi32, #tpu.memory_space<vmem>>)
            tpu.yield
          }) : () -> ()
          %run_scoped3A_73 = arith.constant 0 : i32
          "tpu.region"() ({
            %run_scoped3A_84 = tpu.sem_alloc : memref<!tpu.dma_semaphore, #tpu.memory_space<semaphore_mem>>
            %dma_start3A_85 = arith.constant 0 : i32
            %dma_start3A_86 = tpu.memref_slice %arg8[%run_scoped3A_73, %dma_start3A_85] : memref<2x1000xi32, #tpu.memory_space<vmem>> -> memref<1x1000xi32, #tpu.memory_space<vmem>>
            %dma_start3A_87 = tpu.memref_squeeze %dma_start3A_86 : memref<1x1000xi32, #tpu.memory_space<vmem>> -> memref<1000xi32, #tpu.memory_space<vmem>>
            %dma_start3A_88 = tpu.memref_slice %arg3[%add3A_71] : memref<1600000xi32, #tpu.memory_space<hbm>> -> memref<1000xi32, #tpu.memory_space<hbm>>
            %dma_start3A_89 = arith.constant 0 : i32
            %dma_start3A_90 = tpu.memref_slice %arg8[%run_scoped3A_73, %dma_start3A_89] : memref<2x1000xi32, #tpu.memory_space<vmem>> -> memref<1x1000xi32, #tpu.memory_space<vmem>>
            %dma_start3A_91 = tpu.memref_squeeze %dma_start3A_90 : memref<1x1000xi32, #tpu.memory_space<vmem>> -> memref<1000xi32, #tpu.memory_space<vmem>>
            %dma_start3A_92 = tpu.memref_slice %arg3[%add3A_71] : memref<1600000xi32, #tpu.memory_space<hbm>> -> memref<1000xi32, #tpu.memory_space<hbm>>
            tpu.enqueue_dma source(%dma_start3A_92 : memref<1000xi32, #tpu.memory_space<hbm>>) target(%dma_start3A_91 : memref<1000xi32, #tpu.memory_space<vmem>>) target_semaphore(%run_scoped3A_84 : memref<!tpu.dma_semaphore, #tpu.memory_space<semaphore_mem>>)
            %dma_wait3A_93 = arith.constant 0 : i32
            %dma_wait3A_94 = tpu.memref_slice %arg8[%run_scoped3A_73, %dma_wait3A_93] : memref<2x1000xi32, #tpu.memory_space<vmem>> -> memref<1x1000xi32, #tpu.memory_space<vmem>>
            %dma_wait3A_95 = tpu.memref_squeeze %dma_wait3A_94 : memref<1x1000xi32, #tpu.memory_space<vmem>> -> memref<1000xi32, #tpu.memory_space<vmem>>
            %dma_wait3A_96 = tpu.memref_slice %arg3[%add3A_71] : memref<1600000xi32, #tpu.memory_space<hbm>> -> memref<1000xi32, #tpu.memory_space<hbm>>
            %dma_wait3A_97 = arith.constant 0 : i32
            %dma_wait3A_98 = tpu.memref_slice %arg8[%run_scoped3A_73, %dma_wait3A_97] : memref<2x1000xi32, #tpu.memory_space<vmem>> -> memref<1x1000xi32, #tpu.memory_space<vmem>>
            %dma_wait3A_99 = tpu.memref_squeeze %dma_wait3A_98 : memref<1x1000xi32, #tpu.memory_space<vmem>> -> memref<1000xi32, #tpu.memory_space<vmem>>
            %dma_wait3A_100 = tpu.memref_slice %arg3[%add3A_71] : memref<1600000xi32, #tpu.memory_space<hbm>> -> memref<1000xi32, #tpu.memory_space<hbm>>
            tpu.wait_dma2 semaphore(%run_scoped3A_84 : memref<!tpu.dma_semaphore, #tpu.memory_space<semaphore_mem>>) src(%dma_wait3A_100 : memref<1000xi32, #tpu.memory_space<hbm>>) dst(%dma_wait3A_99 : memref<1000xi32, #tpu.memory_space<vmem>>)
            tpu.yield
          }) : () -> ()
          %dma_start3A_74 = arith.constant 0 : i32
          %dma_start3A_75 = arith.constant 0 : i32
          %dma_start3A_76 = arith.constant 0 : i32
          %dma_start3A_77 = tpu.memref_slice %arg9[%dma_start3A_75, %dma_start3A_76] : memref<2x1000xf32, #tpu.memory_space<vmem>> -> memref<1x1000xf32, #tpu.memory_space<vmem>>
          %dma_start3A_78 = tpu.memref_squeeze %dma_start3A_77 : memref<1x1000xf32, #tpu.memory_space<vmem>> -> memref<1000xf32, #tpu.memory_space<vmem>>
          %dma_start3A_79 = arith.constant 0 : i32
          %dma_start3A_80 = tpu.memref_slice %arg7[%dma_start3A_74, %dma_start3A_79] : memref<2x1000xi32, #tpu.memory_space<vmem>> -> memref<1x1000xi32, #tpu.memory_space<vmem>>
          %dma_start3A_81 = tpu.memref_squeeze %dma_start3A_80 : memref<1x1000xi32, #tpu.memory_space<vmem>> -> memref<1000xi32, #tpu.memory_space<vmem>>
          %dma_start3A_82 = arith.constant 0 : i32
          %dma_start3A_83 = tpu.memref_slice %arg4[%dma_start3A_82] : memref<100000xf32, #tpu.memory_space<hbm>> -> memref<100000xf32, #tpu.memory_space<hbm>>
          tpu.enqueue_indirect_dma source(%dma_start3A_83 : memref<100000xf32, #tpu.memory_space<hbm>>) target(%dma_start3A_78 : memref<1000xf32, #tpu.memory_space<vmem>>) offsets(%dma_start3A_81 : memref<1000xi32, #tpu.memory_space<vmem>>) semaphore(%arg11 : memref<!tpu.dma_semaphore, #tpu.memory_space<semaphore_mem>>)
        } else {
        }
        %dma_wait3A = arith.constant 1 : i32
        %dma_wait3A_58 = arith.constant 1 : i32
        %dma_wait3A_59 = arith.constant 0 : i32
        %dma_wait3A_60 = tpu.memref_slice %arg9[%dma_wait3A_58, %dma_wait3A_59] : memref<2x1000xf32, #tpu.memory_space<vmem>> -> memref<1x1000xf32, #tpu.memory_space<vmem>>
        %dma_wait3A_61 = tpu.memref_squeeze %dma_wait3A_60 : memref<1x1000xf32, #tpu.memory_space<vmem>> -> memref<1000xf32, #tpu.memory_space<vmem>>
        %dma_wait3A_62 = arith.constant 0 : i32
        %dma_wait3A_63 = tpu.memref_slice %arg7[%dma_wait3A, %dma_wait3A_62] : memref<2x1000xi32, #tpu.memory_space<vmem>> -> memref<1x1000xi32, #tpu.memory_space<vmem>>
        %dma_wait3A_64 = tpu.memref_squeeze %dma_wait3A_63 : memref<1x1000xi32, #tpu.memory_space<vmem>> -> memref<1000xi32, #tpu.memory_space<vmem>>
        %dma_wait3A_65 = arith.constant 0 : i32
        %dma_wait3A_66 = tpu.memref_slice %arg4[%dma_wait3A_65] : memref<100000xf32, #tpu.memory_space<hbm>> -> memref<100000xf32, #tpu.memory_space<hbm>>
        tpu.wait_indirect_dma semaphore(%arg12 : memref<!tpu.dma_semaphore, #tpu.memory_space<semaphore_mem>>) src(%dma_wait3A_66 : memref<100000xf32, #tpu.memory_space<hbm>>) dst(%dma_wait3A_61 : memref<1000xf32, #tpu.memory_space<vmem>>)
      } else {
      }
      "tpu.region"() ({
        %run_scoped3A_51 = tpu.sem_alloc : memref<!tpu.dma_semaphore, #tpu.memory_space<semaphore_mem>>
        %dma_start3A_52 = arith.constant 0 : i32
        %dma_start3A_53 = tpu.memref_slice %arg9[%select_n3A_40, %dma_start3A_52] : memref<2x1000xf32, #tpu.memory_space<vmem>> -> memref<1x1000xf32, #tpu.memory_space<vmem>>
        %dma_start3A_54 = tpu.memref_squeeze %dma_start3A_53 : memref<1x1000xf32, #tpu.memory_space<vmem>> -> memref<1000xf32, #tpu.memory_space<vmem>>
        %dma_start3A_55 = arith.constant 0 : i32
        %dma_start3A_56 = tpu.memref_slice %arg8[%select_n3A_40, %dma_start3A_55] : memref<2x1000xi32, #tpu.memory_space<vmem>> -> memref<1x1000xi32, #tpu.memory_space<vmem>>
        %dma_start3A_57 = tpu.memref_squeeze %dma_start3A_56 : memref<1x1000xi32, #tpu.memory_space<vmem>> -> memref<1000xi32, #tpu.memory_space<vmem>>
        %dma_start3A_58 = arith.constant 0 : i32
        %dma_start3A_59 = tpu.memref_slice %arg10[%dma_start3A_58] : memref<100096xf32, #tpu.memory_space<vmem_shared>> -> memref<100096xf32, #tpu.memory_space<vmem_shared>>
        tpu.enqueue_indirect_dma source(%dma_start3A_54 : memref<1000xf32, #tpu.memory_space<vmem>>) target(%dma_start3A_59 : memref<100096xf32, #tpu.memory_space<vmem_shared>>) offsets(%dma_start3A_57 : memref<1000xi32, #tpu.memory_space<vmem>>) semaphore(%run_scoped3A_51 : memref<!tpu.dma_semaphore, #tpu.memory_space<semaphore_mem>>) {add = true}
        %dma_wait3A = arith.constant 0 : i32
        %dma_wait3A_60 = tpu.memref_slice %arg9[%select_n3A_40, %dma_wait3A] : memref<2x1000xf32, #tpu.memory_space<vmem>> -> memref<1x1000xf32, #tpu.memory_space<vmem>>
        %dma_wait3A_61 = tpu.memref_squeeze %dma_wait3A_60 : memref<1x1000xf32, #tpu.memory_space<vmem>> -> memref<1000xf32, #tpu.memory_space<vmem>>
        %dma_wait3A_62 = arith.constant 0 : i32
        %dma_wait3A_63 = tpu.memref_slice %arg8[%select_n3A_40, %dma_wait3A_62] : memref<2x1000xi32, #tpu.memory_space<vmem>> -> memref<1x1000xi32, #tpu.memory_space<vmem>>
        %dma_wait3A_64 = tpu.memref_squeeze %dma_wait3A_63 : memref<1x1000xi32, #tpu.memory_space<vmem>> -> memref<1000xi32, #tpu.memory_space<vmem>>
        %dma_wait3A_65 = arith.constant 0 : i32
        %dma_wait3A_66 = tpu.memref_slice %arg10[%dma_wait3A_65] : memref<100096xf32, #tpu.memory_space<vmem_shared>> -> memref<100096xf32, #tpu.memory_space<vmem_shared>>
        tpu.wait_indirect_dma semaphore(%run_scoped3A_51 : memref<!tpu.dma_semaphore, #tpu.memory_space<semaphore_mem>>) src(%dma_wait3A_61 : memref<1000xf32, #tpu.memory_space<vmem>>) dst(%dma_wait3A_66 : memref<100096xf32, #tpu.memory_space<vmem_shared>>)
        tpu.yield
      }) : () -> ()
    }
    %scan3A_21 = arith.constant 50 : i32
    %barrier3A_22 = arith.constant 0 : index
    tpu.barrier barrier_id(%barrier3A_22)
    %lt3A = arith.constant 15 : i32
    %lt3A_23 = arith.cmpi slt, %arg1, %lt3A : i32
    %convert_element_type3A = arith.extui %lt3A_23 : i1 to i32
    %cond3A = arith.constant 0 : i32
    %cond3A_24 = arith.cmpi ne, %convert_element_type3A, %cond3A : i32
    scf.if %cond3A_24 {
      %mul3A_29 = arith.constant 6256 : i32
      %mul3A_30 = arith.muli %arg1, %mul3A_29 : i32
      "tpu.region"() ({
        %run_scoped3A_31 = tpu.sem_alloc : memref<!tpu.dma_semaphore, #tpu.memory_space<semaphore_mem>>
        %dma_start3A_32 = arith.constant 0 : i32
        %dma_start3A_33 = tpu.memref_slice %arg6[%arg0, %dma_start3A_32] : memref<2x100000xf32, #tpu.memory_space<hbm>> -> memref<1x100000xf32, #tpu.memory_space<hbm>>
        %dma_start3A_34 = tpu.memref_squeeze %dma_start3A_33 : memref<1x100000xf32, #tpu.memory_space<hbm>> -> memref<100000xf32, #tpu.memory_space<hbm>>
        %dma_start3A_35 = tpu.memref_slice %dma_start3A_34[%mul3A_30] : memref<100000xf32, #tpu.memory_space<hbm>> -> memref<6256xf32, #tpu.memory_space<hbm>>
        %dma_start3A_36 = tpu.memref_slice %arg10[%mul3A_30] : memref<100096xf32, #tpu.memory_space<vmem_shared>> -> memref<6256xf32, #tpu.memory_space<vmem_shared>>
        tpu.enqueue_dma source(%dma_start3A_36 : memref<6256xf32, #tpu.memory_space<vmem_shared>>) target(%dma_start3A_35 : memref<6256xf32, #tpu.memory_space<hbm>>) target_semaphore(%run_scoped3A_31 : memref<!tpu.dma_semaphore, #tpu.memory_space<semaphore_mem>>)
        %dma_wait3A = arith.constant 0 : i32
        %dma_wait3A_37 = tpu.memref_slice %arg6[%arg0, %dma_wait3A] : memref<2x100000xf32, #tpu.memory_space<hbm>> -> memref<1x100000xf32, #tpu.memory_space<hbm>>
        %dma_wait3A_38 = tpu.memref_squeeze %dma_wait3A_37 : memref<1x100000xf32, #tpu.memory_space<hbm>> -> memref<100000xf32, #tpu.memory_space<hbm>>
        %dma_wait3A_39 = tpu.memref_slice %dma_wait3A_38[%mul3A_30] : memref<100000xf32, #tpu.memory_space<hbm>> -> memref<6256xf32, #tpu.memory_space<hbm>>
        %dma_wait3A_40 = tpu.memref_slice %arg10[%mul3A_30] : memref<100096xf32, #tpu.memory_space<vmem_shared>> -> memref<6256xf32, #tpu.memory_space<vmem_shared>>
        tpu.wait_dma2 semaphore(%run_scoped3A_31 : memref<!tpu.dma_semaphore, #tpu.memory_space<semaphore_mem>>) src(%dma_wait3A_40 : memref<6256xf32, #tpu.memory_space<vmem_shared>>) dst(%dma_wait3A_39 : memref<6256xf32, #tpu.memory_space<hbm>>)
        tpu.yield
      }) : () -> ()
    } else {
    }
    %eq3A = arith.constant 15 : i32
    %eq3A_25 = arith.cmpi eq, %arg1, %eq3A : i32
    %convert_element_type3A_26 = arith.extui %eq3A_25 : i1 to i32
    %cond3A_27 = arith.constant 0 : i32
    %cond3A_28 = arith.cmpi ne, %convert_element_type3A_26, %cond3A_27 : i32
    scf.if %cond3A_28 {
      "tpu.region"() ({
        %run_scoped3A_29 = tpu.sem_alloc : memref<!tpu.dma_semaphore, #tpu.memory_space<semaphore_mem>>
        %dma_start3A_30 = arith.constant 0 : i32
        %dma_start3A_31 = tpu.memref_slice %arg6[%arg0, %dma_start3A_30] : memref<2x100000xf32, #tpu.memory_space<hbm>> -> memref<1x100000xf32, #tpu.memory_space<hbm>>
        %dma_start3A_32 = tpu.memref_squeeze %dma_start3A_31 : memref<1x100000xf32, #tpu.memory_space<hbm>> -> memref<100000xf32, #tpu.memory_space<hbm>>
        %dma_start3A_33 = arith.constant 93840 : i32
        %dma_start3A_34 = tpu.memref_slice %dma_start3A_32[%dma_start3A_33] : memref<100000xf32, #tpu.memory_space<hbm>> -> memref<6160xf32, #tpu.memory_space<hbm>>
        %dma_start3A_35 = arith.constant 93840 : i32
        %dma_start3A_36 = tpu.memref_slice %arg10[%dma_start3A_35] : memref<100096xf32, #tpu.memory_space<vmem_shared>> -> memref<6160xf32, #tpu.memory_space<vmem_shared>>
        tpu.enqueue_dma source(%dma_start3A_36 : memref<6160xf32, #tpu.memory_space<vmem_shared>>) target(%dma_start3A_34 : memref<6160xf32, #tpu.memory_space<hbm>>) target_semaphore(%run_scoped3A_29 : memref<!tpu.dma_semaphore, #tpu.memory_space<semaphore_mem>>)
        %dma_wait3A = arith.constant 0 : i32
        %dma_wait3A_37 = tpu.memref_slice %arg6[%arg0, %dma_wait3A] : memref<2x100000xf32, #tpu.memory_space<hbm>> -> memref<1x100000xf32, #tpu.memory_space<hbm>>
        %dma_wait3A_38 = tpu.memref_squeeze %dma_wait3A_37 : memref<1x100000xf32, #tpu.memory_space<hbm>> -> memref<100000xf32, #tpu.memory_space<hbm>>
        %dma_wait3A_39 = arith.constant 93840 : i32
        %dma_wait3A_40 = tpu.memref_slice %dma_wait3A_38[%dma_wait3A_39] : memref<100000xf32, #tpu.memory_space<hbm>> -> memref<6160xf32, #tpu.memory_space<hbm>>
        %dma_wait3A_41 = arith.constant 93840 : i32
        %dma_wait3A_42 = tpu.memref_slice %arg10[%dma_wait3A_41] : memref<100096xf32, #tpu.memory_space<vmem_shared>> -> memref<6160xf32, #tpu.memory_space<vmem_shared>>
        tpu.wait_dma2 semaphore(%run_scoped3A_29 : memref<!tpu.dma_semaphore, #tpu.memory_space<semaphore_mem>>) src(%dma_wait3A_42 : memref<6160xf32, #tpu.memory_space<vmem_shared>>) dst(%dma_wait3A_40 : memref<6160xf32, #tpu.memory_space<hbm>>)
        tpu.yield
      }) : () -> ()
    } else {
    }
    return
  }
}

#map = affine_map<(d0, d1) -> (0)>
#map1 = affine_map<(d0, d1) -> (0, 0, 0)>
#map2 = affine_map<(d0, d1) -> (0, 0)>
module attributes {stable_mosaic.version = 14 : i64} {
  func.func @_sc_spmv64(%arg0: i32, %arg1: i32, %arg2: memref<1600000xi32, #tpu.memory_space<hbm>>, %arg3: memref<1600000xi32, #tpu.memory_space<hbm>>, %arg4: memref<4x100000x16xf32, #tpu.memory_space<hbm>>, %arg5: memref<100096x16xf32, #tpu.memory_space<hbm>>, %arg6: memref<4x100000x16xf32, #tpu.memory_space<hbm>>, %arg7: memref<2x800xi32, #tpu.memory_space<vmem>>, %arg8: memref<2x800xi32, #tpu.memory_space<vmem>>, %arg9: memref<2x800x16xf32, #tpu.memory_space<vmem>>, %arg10: memref<100096x16xf32, #tpu.memory_space<vmem_shared>>, %arg11: memref<!tpu.dma_semaphore, #tpu.memory_space<semaphore_mem>>, %arg12: memref<!tpu.dma_semaphore, #tpu.memory_space<semaphore_mem>>) attributes {dimension_semantics = [#tpu.dimension_semantics<core_parallel>, #tpu.dimension_semantics<subcore_parallel>], iteration_bounds = array<i64: 2, 16>, scalar_prefetch = 0 : i64, scratch_operands = 6 : i64, tpu.core_type = #tpu.core_type<sc_vector_subcore>, window_params = [{transform_indices = #map}, {transform_indices = #map}, {transform_indices = #map1}, {transform_indices = #map2}, {transform_indices = #map1}]} {
    %add3A = arith.constant 0 : i32
    %add3A_0 = arith.addi %add3A, %arg0 : i32
    %mul3A = arith.constant 6256 : i32
    %mul3A_1 = arith.muli %arg1, %mul3A : i32
    "tpu.region"() ({
      %run_scoped3A_80 = tpu.sem_alloc : memref<!tpu.dma_semaphore, #tpu.memory_space<semaphore_mem>>
      %dma_start3A_81 = arith.constant 0 : i32
      %dma_start3A_82 = tpu.memref_slice %arg10[%mul3A_1, %dma_start3A_81] : memref<100096x16xf32, #tpu.memory_space<vmem_shared>> -> memref<6256x16xf32, #tpu.memory_space<vmem_shared>>
      %dma_start3A_83 = arith.constant 0 : i32
      %dma_start3A_84 = tpu.memref_slice %arg5[%mul3A_1, %dma_start3A_83] : memref<100096x16xf32, #tpu.memory_space<hbm>> -> memref<6256x16xf32, #tpu.memory_space<hbm>>
      tpu.enqueue_dma source(%dma_start3A_84 : memref<6256x16xf32, #tpu.memory_space<hbm>>) target(%dma_start3A_82 : memref<6256x16xf32, #tpu.memory_space<vmem_shared>>) target_semaphore(%run_scoped3A_80 : memref<!tpu.dma_semaphore, #tpu.memory_space<semaphore_mem>>)
      %dma_wait3A = arith.constant 0 : i32
      %dma_wait3A_85 = tpu.memref_slice %arg10[%mul3A_1, %dma_wait3A] : memref<100096x16xf32, #tpu.memory_space<vmem_shared>> -> memref<6256x16xf32, #tpu.memory_space<vmem_shared>>
      %dma_wait3A_86 = arith.constant 0 : i32
      %dma_wait3A_87 = tpu.memref_slice %arg5[%mul3A_1, %dma_wait3A_86] : memref<100096x16xf32, #tpu.memory_space<hbm>> -> memref<6256x16xf32, #tpu.memory_space<hbm>>
      tpu.wait_dma2 semaphore(%run_scoped3A_80 : memref<!tpu.dma_semaphore, #tpu.memory_space<semaphore_mem>>) src(%dma_wait3A_87 : memref<6256x16xf32, #tpu.memory_space<hbm>>) dst(%dma_wait3A_85 : memref<6256x16xf32, #tpu.memory_space<vmem_shared>>)
      tpu.yield
    }) : () -> ()
    %barrier3A = arith.constant 0 : index
    tpu.barrier barrier_id(%barrier3A)
    %mul3A_2 = arith.constant 100000 : i32
    %mul3A_3 = arith.muli %arg1, %mul3A_2 : i32
    %add3A_4 = arith.constant 0 : i32
    %add3A_5 = arith.addi %mul3A_3, %add3A_4 : i32
    %run_scoped3A = arith.constant 0 : i32
    "tpu.region"() ({
      %run_scoped3A_80 = tpu.sem_alloc : memref<!tpu.dma_semaphore, #tpu.memory_space<semaphore_mem>>
      %dma_start3A_81 = arith.constant 0 : i32
      %dma_start3A_82 = tpu.memref_slice %arg7[%run_scoped3A, %dma_start3A_81] : memref<2x800xi32, #tpu.memory_space<vmem>> -> memref<1x800xi32, #tpu.memory_space<vmem>>
      %dma_start3A_83 = tpu.memref_squeeze %dma_start3A_82 : memref<1x800xi32, #tpu.memory_space<vmem>> -> memref<800xi32, #tpu.memory_space<vmem>>
      %dma_start3A_84 = tpu.memref_slice %arg2[%add3A_5] : memref<1600000xi32, #tpu.memory_space<hbm>> -> memref<800xi32, #tpu.memory_space<hbm>>
      %dma_start3A_85 = arith.constant 0 : i32
      %dma_start3A_86 = tpu.memref_slice %arg7[%run_scoped3A, %dma_start3A_85] : memref<2x800xi32, #tpu.memory_space<vmem>> -> memref<1x800xi32, #tpu.memory_space<vmem>>
      %dma_start3A_87 = tpu.memref_squeeze %dma_start3A_86 : memref<1x800xi32, #tpu.memory_space<vmem>> -> memref<800xi32, #tpu.memory_space<vmem>>
      %dma_start3A_88 = tpu.memref_slice %arg2[%add3A_5] : memref<1600000xi32, #tpu.memory_space<hbm>> -> memref<800xi32, #tpu.memory_space<hbm>>
      tpu.enqueue_dma source(%dma_start3A_88 : memref<800xi32, #tpu.memory_space<hbm>>) target(%dma_start3A_87 : memref<800xi32, #tpu.memory_space<vmem>>) target_semaphore(%run_scoped3A_80 : memref<!tpu.dma_semaphore, #tpu.memory_space<semaphore_mem>>)
      %dma_wait3A = arith.constant 0 : i32
      %dma_wait3A_89 = tpu.memref_slice %arg7[%run_scoped3A, %dma_wait3A] : memref<2x800xi32, #tpu.memory_space<vmem>> -> memref<1x800xi32, #tpu.memory_space<vmem>>
      %dma_wait3A_90 = tpu.memref_squeeze %dma_wait3A_89 : memref<1x800xi32, #tpu.memory_space<vmem>> -> memref<800xi32, #tpu.memory_space<vmem>>
      %dma_wait3A_91 = tpu.memref_slice %arg2[%add3A_5] : memref<1600000xi32, #tpu.memory_space<hbm>> -> memref<800xi32, #tpu.memory_space<hbm>>
      %dma_wait3A_92 = arith.constant 0 : i32
      %dma_wait3A_93 = tpu.memref_slice %arg7[%run_scoped3A, %dma_wait3A_92] : memref<2x800xi32, #tpu.memory_space<vmem>> -> memref<1x800xi32, #tpu.memory_space<vmem>>
      %dma_wait3A_94 = tpu.memref_squeeze %dma_wait3A_93 : memref<1x800xi32, #tpu.memory_space<vmem>> -> memref<800xi32, #tpu.memory_space<vmem>>
      %dma_wait3A_95 = tpu.memref_slice %arg2[%add3A_5] : memref<1600000xi32, #tpu.memory_space<hbm>> -> memref<800xi32, #tpu.memory_space<hbm>>
      tpu.wait_dma2 semaphore(%run_scoped3A_80 : memref<!tpu.dma_semaphore, #tpu.memory_space<semaphore_mem>>) src(%dma_wait3A_95 : memref<800xi32, #tpu.memory_space<hbm>>) dst(%dma_wait3A_94 : memref<800xi32, #tpu.memory_space<vmem>>)
      tpu.yield
    }) : () -> ()
    %run_scoped3A_6 = arith.constant 0 : i32
    "tpu.region"() ({
      %run_scoped3A_80 = tpu.sem_alloc : memref<!tpu.dma_semaphore, #tpu.memory_space<semaphore_mem>>
      %dma_start3A_81 = arith.constant 0 : i32
      %dma_start3A_82 = tpu.memref_slice %arg8[%run_scoped3A_6, %dma_start3A_81] : memref<2x800xi32, #tpu.memory_space<vmem>> -> memref<1x800xi32, #tpu.memory_space<vmem>>
      %dma_start3A_83 = tpu.memref_squeeze %dma_start3A_82 : memref<1x800xi32, #tpu.memory_space<vmem>> -> memref<800xi32, #tpu.memory_space<vmem>>
      %dma_start3A_84 = tpu.memref_slice %arg3[%add3A_5] : memref<1600000xi32, #tpu.memory_space<hbm>> -> memref<800xi32, #tpu.memory_space<hbm>>
      %dma_start3A_85 = arith.constant 0 : i32
      %dma_start3A_86 = tpu.memref_slice %arg8[%run_scoped3A_6, %dma_start3A_85] : memref<2x800xi32, #tpu.memory_space<vmem>> -> memref<1x800xi32, #tpu.memory_space<vmem>>
      %dma_start3A_87 = tpu.memref_squeeze %dma_start3A_86 : memref<1x800xi32, #tpu.memory_space<vmem>> -> memref<800xi32, #tpu.memory_space<vmem>>
      %dma_start3A_88 = tpu.memref_slice %arg3[%add3A_5] : memref<1600000xi32, #tpu.memory_space<hbm>> -> memref<800xi32, #tpu.memory_space<hbm>>
      tpu.enqueue_dma source(%dma_start3A_88 : memref<800xi32, #tpu.memory_space<hbm>>) target(%dma_start3A_87 : memref<800xi32, #tpu.memory_space<vmem>>) target_semaphore(%run_scoped3A_80 : memref<!tpu.dma_semaphore, #tpu.memory_space<semaphore_mem>>)
      %dma_wait3A = arith.constant 0 : i32
      %dma_wait3A_89 = tpu.memref_slice %arg8[%run_scoped3A_6, %dma_wait3A] : memref<2x800xi32, #tpu.memory_space<vmem>> -> memref<1x800xi32, #tpu.memory_space<vmem>>
      %dma_wait3A_90 = tpu.memref_squeeze %dma_wait3A_89 : memref<1x800xi32, #tpu.memory_space<vmem>> -> memref<800xi32, #tpu.memory_space<vmem>>
      %dma_wait3A_91 = tpu.memref_slice %arg3[%add3A_5] : memref<1600000xi32, #tpu.memory_space<hbm>> -> memref<800xi32, #tpu.memory_space<hbm>>
      %dma_wait3A_92 = arith.constant 0 : i32
      %dma_wait3A_93 = tpu.memref_slice %arg8[%run_scoped3A_6, %dma_wait3A_92] : memref<2x800xi32, #tpu.memory_space<vmem>> -> memref<1x800xi32, #tpu.memory_space<vmem>>
      %dma_wait3A_94 = tpu.memref_squeeze %dma_wait3A_93 : memref<1x800xi32, #tpu.memory_space<vmem>> -> memref<800xi32, #tpu.memory_space<vmem>>
      %dma_wait3A_95 = tpu.memref_slice %arg3[%add3A_5] : memref<1600000xi32, #tpu.memory_space<hbm>> -> memref<800xi32, #tpu.memory_space<hbm>>
      tpu.wait_dma2 semaphore(%run_scoped3A_80 : memref<!tpu.dma_semaphore, #tpu.memory_space<semaphore_mem>>) src(%dma_wait3A_95 : memref<800xi32, #tpu.memory_space<hbm>>) dst(%dma_wait3A_94 : memref<800xi32, #tpu.memory_space<vmem>>)
      tpu.yield
    }) : () -> ()
    %dma_start3A = arith.constant 0 : i32
    %dma_start3A_7 = arith.constant 0 : i32
    %dma_start3A_8 = arith.constant 0 : i32
    %dma_start3A_9 = arith.constant 0 : i32
    %dma_start3A_10 = tpu.memref_slice %arg9[%dma_start3A_7, %dma_start3A_8, %dma_start3A_9] : memref<2x800x16xf32, #tpu.memory_space<vmem>> -> memref<1x800x16xf32, #tpu.memory_space<vmem>>
    %dma_start3A_11 = tpu.memref_squeeze %dma_start3A_10 : memref<1x800x16xf32, #tpu.memory_space<vmem>> -> memref<800x16xf32, #tpu.memory_space<vmem>>
    %dma_start3A_12 = arith.constant 0 : i32
    %dma_start3A_13 = tpu.memref_slice %arg7[%dma_start3A, %dma_start3A_12] : memref<2x800xi32, #tpu.memory_space<vmem>> -> memref<1x800xi32, #tpu.memory_space<vmem>>
    %dma_start3A_14 = tpu.memref_squeeze %dma_start3A_13 : memref<1x800xi32, #tpu.memory_space<vmem>> -> memref<800xi32, #tpu.memory_space<vmem>>
    %dma_start3A_15 = arith.constant 0 : i32
    %dma_start3A_16 = arith.constant 0 : i32
    %dma_start3A_17 = tpu.memref_slice %arg4[%add3A_0, %dma_start3A_15, %dma_start3A_16] : memref<4x100000x16xf32, #tpu.memory_space<hbm>> -> memref<1x100000x16xf32, #tpu.memory_space<hbm>>
    %dma_start3A_18 = tpu.memref_squeeze %dma_start3A_17 : memref<1x100000x16xf32, #tpu.memory_space<hbm>> -> memref<100000x16xf32, #tpu.memory_space<hbm>>
    %dma_start3A_19 = arith.constant 0 : i32
    %dma_start3A_20 = arith.constant 0 : i32
    %dma_start3A_21 = tpu.memref_slice %dma_start3A_18[%dma_start3A_19, %dma_start3A_20] : memref<100000x16xf32, #tpu.memory_space<hbm>> -> memref<100000x16xf32, #tpu.memory_space<hbm>>
    tpu.enqueue_indirect_dma source(%dma_start3A_21 : memref<100000x16xf32, #tpu.memory_space<hbm>>) target(%dma_start3A_11 : memref<800x16xf32, #tpu.memory_space<vmem>>) offsets(%dma_start3A_14 : memref<800xi32, #tpu.memory_space<vmem>>) semaphore(%arg11 : memref<!tpu.dma_semaphore, #tpu.memory_space<semaphore_mem>>)
    %scan3A = arith.constant 0 : i32
    %scan3A_22 = arith.constant 0 : i32
    %scan3A_23 = arith.constant 125 : i32
    %scan3A_24 = arith.addi %scan3A_22, %scan3A_23 : i32
    %scan3A_25 = arith.constant 1 : i32
    scf.for %scan3A_80 = %scan3A_22 to %scan3A_24 step %scan3A_25  : i32 {
      %jit3A = arith.constant 2 : i32
      %eq3A_81 = arith.constant 0 : i32
      %eq3A_82 = arith.cmpi eq, %jit3A, %eq3A_81 : i32
      %jit3A_83 = arith.constant 1 : i32
      %select_n3A = arith.select %eq3A_82, %jit3A_83, %jit3A : i32
      %rem3A = arith.remsi %scan3A_80, %select_n3A : i32
      %ne3A = arith.constant 0 : i32
      %ne3A_84 = arith.cmpi ne, %rem3A, %ne3A : i32
      %lt3A_85 = arith.constant 0 : i32
      %lt3A_86 = arith.cmpi slt, %rem3A, %lt3A_85 : i32
      %lt3A_87 = arith.constant 0 : i32
      %lt3A_88 = arith.cmpi slt, %select_n3A, %lt3A_87 : i32
      %ne3A_89 = arith.xori %lt3A_86, %lt3A_88 : i1
      %and3A = arith.andi %ne3A_89, %ne3A_84 : i1
      %add3A_90 = arith.addi %rem3A, %select_n3A : i32
      %select_n3A_91 = arith.select %and3A, %add3A_90, %rem3A : i32
      %eq3A_92 = arith.constant 0 : i32
      %eq3A_93 = arith.cmpi eq, %select_n3A_91, %eq3A_92 : i32
      %convert_element_type3A_94 = arith.extui %eq3A_93 : i1 to i32
      %cond3A_95 = arith.constant 0 : i32
      %cond3A_96 = arith.cmpi ne, %convert_element_type3A_94, %cond3A_95 : i32
      scf.if %cond3A_96 {
        %add3A_102 = arith.constant 1 : i32
        %add3A_103 = arith.addi %scan3A_80, %add3A_102 : i32
        %lt3A_104 = arith.constant 125 : i32
        %lt3A_105 = arith.cmpi slt, %add3A_103, %lt3A_104 : i32
        %convert_element_type3A_106 = arith.extui %lt3A_105 : i1 to i32
        %cond3A_107 = arith.constant 0 : i32
        %cond3A_108 = arith.cmpi ne, %convert_element_type3A_106, %cond3A_107 : i32
        scf.if %cond3A_108 {
          %add3A_124 = arith.constant 1 : i32
          %add3A_125 = arith.addi %scan3A_80, %add3A_124 : i32
          %mul3A_126 = arith.constant 800 : i32
          %mul3A_127 = arith.muli %add3A_125, %mul3A_126 : i32
          %add3A_128 = arith.addi %mul3A_3, %mul3A_127 : i32
          %run_scoped3A_129 = arith.constant 1 : i32
          "tpu.region"() ({
            %run_scoped3A_147 = tpu.sem_alloc : memref<!tpu.dma_semaphore, #tpu.memory_space<semaphore_mem>>
            %dma_start3A_148 = arith.constant 0 : i32
            %dma_start3A_149 = tpu.memref_slice %arg7[%run_scoped3A_129, %dma_start3A_148] : memref<2x800xi32, #tpu.memory_space<vmem>> -> memref<1x800xi32, #tpu.memory_space<vmem>>
            %dma_start3A_150 = tpu.memref_squeeze %dma_start3A_149 : memref<1x800xi32, #tpu.memory_space<vmem>> -> memref<800xi32, #tpu.memory_space<vmem>>
            %dma_start3A_151 = tpu.memref_slice %arg2[%add3A_128] : memref<1600000xi32, #tpu.memory_space<hbm>> -> memref<800xi32, #tpu.memory_space<hbm>>
            %dma_start3A_152 = arith.constant 0 : i32
            %dma_start3A_153 = tpu.memref_slice %arg7[%run_scoped3A_129, %dma_start3A_152] : memref<2x800xi32, #tpu.memory_space<vmem>> -> memref<1x800xi32, #tpu.memory_space<vmem>>
            %dma_start3A_154 = tpu.memref_squeeze %dma_start3A_153 : memref<1x800xi32, #tpu.memory_space<vmem>> -> memref<800xi32, #tpu.memory_space<vmem>>
            %dma_start3A_155 = tpu.memref_slice %arg2[%add3A_128] : memref<1600000xi32, #tpu.memory_space<hbm>> -> memref<800xi32, #tpu.memory_space<hbm>>
            tpu.enqueue_dma source(%dma_start3A_155 : memref<800xi32, #tpu.memory_space<hbm>>) target(%dma_start3A_154 : memref<800xi32, #tpu.memory_space<vmem>>) target_semaphore(%run_scoped3A_147 : memref<!tpu.dma_semaphore, #tpu.memory_space<semaphore_mem>>)
            %dma_wait3A_156 = arith.constant 0 : i32
            %dma_wait3A_157 = tpu.memref_slice %arg7[%run_scoped3A_129, %dma_wait3A_156] : memref<2x800xi32, #tpu.memory_space<vmem>> -> memref<1x800xi32, #tpu.memory_space<vmem>>
            %dma_wait3A_158 = tpu.memref_squeeze %dma_wait3A_157 : memref<1x800xi32, #tpu.memory_space<vmem>> -> memref<800xi32, #tpu.memory_space<vmem>>
            %dma_wait3A_159 = tpu.memref_slice %arg2[%add3A_128] : memref<1600000xi32, #tpu.memory_space<hbm>> -> memref<800xi32, #tpu.memory_space<hbm>>
            %dma_wait3A_160 = arith.constant 0 : i32
            %dma_wait3A_161 = tpu.memref_slice %arg7[%run_scoped3A_129, %dma_wait3A_160] : memref<2x800xi32, #tpu.memory_space<vmem>> -> memref<1x800xi32, #tpu.memory_space<vmem>>
            %dma_wait3A_162 = tpu.memref_squeeze %dma_wait3A_161 : memref<1x800xi32, #tpu.memory_space<vmem>> -> memref<800xi32, #tpu.memory_space<vmem>>
            %dma_wait3A_163 = tpu.memref_slice %arg2[%add3A_128] : memref<1600000xi32, #tpu.memory_space<hbm>> -> memref<800xi32, #tpu.memory_space<hbm>>
            tpu.wait_dma2 semaphore(%run_scoped3A_147 : memref<!tpu.dma_semaphore, #tpu.memory_space<semaphore_mem>>) src(%dma_wait3A_163 : memref<800xi32, #tpu.memory_space<hbm>>) dst(%dma_wait3A_162 : memref<800xi32, #tpu.memory_space<vmem>>)
            tpu.yield
          }) : () -> ()
          %run_scoped3A_130 = arith.constant 1 : i32
          "tpu.region"() ({
            %run_scoped3A_147 = tpu.sem_alloc : memref<!tpu.dma_semaphore, #tpu.memory_space<semaphore_mem>>
            %dma_start3A_148 = arith.constant 0 : i32
            %dma_start3A_149 = tpu.memref_slice %arg8[%run_scoped3A_130, %dma_start3A_148] : memref<2x800xi32, #tpu.memory_space<vmem>> -> memref<1x800xi32, #tpu.memory_space<vmem>>
            %dma_start3A_150 = tpu.memref_squeeze %dma_start3A_149 : memref<1x800xi32, #tpu.memory_space<vmem>> -> memref<800xi32, #tpu.memory_space<vmem>>
            %dma_start3A_151 = tpu.memref_slice %arg3[%add3A_128] : memref<1600000xi32, #tpu.memory_space<hbm>> -> memref<800xi32, #tpu.memory_space<hbm>>
            %dma_start3A_152 = arith.constant 0 : i32
            %dma_start3A_153 = tpu.memref_slice %arg8[%run_scoped3A_130, %dma_start3A_152] : memref<2x800xi32, #tpu.memory_space<vmem>> -> memref<1x800xi32, #tpu.memory_space<vmem>>
            %dma_start3A_154 = tpu.memref_squeeze %dma_start3A_153 : memref<1x800xi32, #tpu.memory_space<vmem>> -> memref<800xi32, #tpu.memory_space<vmem>>
            %dma_start3A_155 = tpu.memref_slice %arg3[%add3A_128] : memref<1600000xi32, #tpu.memory_space<hbm>> -> memref<800xi32, #tpu.memory_space<hbm>>
            tpu.enqueue_dma source(%dma_start3A_155 : memref<800xi32, #tpu.memory_space<hbm>>) target(%dma_start3A_154 : memref<800xi32, #tpu.memory_space<vmem>>) target_semaphore(%run_scoped3A_147 : memref<!tpu.dma_semaphore, #tpu.memory_space<semaphore_mem>>)
            %dma_wait3A_156 = arith.constant 0 : i32
            %dma_wait3A_157 = tpu.memref_slice %arg8[%run_scoped3A_130, %dma_wait3A_156] : memref<2x800xi32, #tpu.memory_space<vmem>> -> memref<1x800xi32, #tpu.memory_space<vmem>>
            %dma_wait3A_158 = tpu.memref_squeeze %dma_wait3A_157 : memref<1x800xi32, #tpu.memory_space<vmem>> -> memref<800xi32, #tpu.memory_space<vmem>>
            %dma_wait3A_159 = tpu.memref_slice %arg3[%add3A_128] : memref<1600000xi32, #tpu.memory_space<hbm>> -> memref<800xi32, #tpu.memory_space<hbm>>
            %dma_wait3A_160 = arith.constant 0 : i32
            %dma_wait3A_161 = tpu.memref_slice %arg8[%run_scoped3A_130, %dma_wait3A_160] : memref<2x800xi32, #tpu.memory_space<vmem>> -> memref<1x800xi32, #tpu.memory_space<vmem>>
            %dma_wait3A_162 = tpu.memref_squeeze %dma_wait3A_161 : memref<1x800xi32, #tpu.memory_space<vmem>> -> memref<800xi32, #tpu.memory_space<vmem>>
            %dma_wait3A_163 = tpu.memref_slice %arg3[%add3A_128] : memref<1600000xi32, #tpu.memory_space<hbm>> -> memref<800xi32, #tpu.memory_space<hbm>>
            tpu.wait_dma2 semaphore(%run_scoped3A_147 : memref<!tpu.dma_semaphore, #tpu.memory_space<semaphore_mem>>) src(%dma_wait3A_163 : memref<800xi32, #tpu.memory_space<hbm>>) dst(%dma_wait3A_162 : memref<800xi32, #tpu.memory_space<vmem>>)
            tpu.yield
          }) : () -> ()
          %dma_start3A_131 = arith.constant 1 : i32
          %dma_start3A_132 = arith.constant 1 : i32
          %dma_start3A_133 = arith.constant 0 : i32
          %dma_start3A_134 = arith.constant 0 : i32
          %dma_start3A_135 = tpu.memref_slice %arg9[%dma_start3A_132, %dma_start3A_133, %dma_start3A_134] : memref<2x800x16xf32, #tpu.memory_space<vmem>> -> memref<1x800x16xf32, #tpu.memory_space<vmem>>
          %dma_start3A_136 = tpu.memref_squeeze %dma_start3A_135 : memref<1x800x16xf32, #tpu.memory_space<vmem>> -> memref<800x16xf32, #tpu.memory_space<vmem>>
          %dma_start3A_137 = arith.constant 0 : i32
          %dma_start3A_138 = tpu.memref_slice %arg7[%dma_start3A_131, %dma_start3A_137] : memref<2x800xi32, #tpu.memory_space<vmem>> -> memref<1x800xi32, #tpu.memory_space<vmem>>
          %dma_start3A_139 = tpu.memref_squeeze %dma_start3A_138 : memref<1x800xi32, #tpu.memory_space<vmem>> -> memref<800xi32, #tpu.memory_space<vmem>>
          %dma_start3A_140 = arith.constant 0 : i32
          %dma_start3A_141 = arith.constant 0 : i32
          %dma_start3A_142 = tpu.memref_slice %arg4[%add3A_0, %dma_start3A_140, %dma_start3A_141] : memref<4x100000x16xf32, #tpu.memory_space<hbm>> -> memref<1x100000x16xf32, #tpu.memory_space<hbm>>
          %dma_start3A_143 = tpu.memref_squeeze %dma_start3A_142 : memref<1x100000x16xf32, #tpu.memory_space<hbm>> -> memref<100000x16xf32, #tpu.memory_space<hbm>>
          %dma_start3A_144 = arith.constant 0 : i32
          %dma_start3A_145 = arith.constant 0 : i32
          %dma_start3A_146 = tpu.memref_slice %dma_start3A_143[%dma_start3A_144, %dma_start3A_145] : memref<100000x16xf32, #tpu.memory_space<hbm>> -> memref<100000x16xf32, #tpu.memory_space<hbm>>
          tpu.enqueue_indirect_dma source(%dma_start3A_146 : memref<100000x16xf32, #tpu.memory_space<hbm>>) target(%dma_start3A_136 : memref<800x16xf32, #tpu.memory_space<vmem>>) offsets(%dma_start3A_139 : memref<800xi32, #tpu.memory_space<vmem>>) semaphore(%arg12 : memref<!tpu.dma_semaphore, #tpu.memory_space<semaphore_mem>>)
        } else {
        }
        %dma_wait3A = arith.constant 0 : i32
        %dma_wait3A_109 = arith.constant 0 : i32
        %dma_wait3A_110 = arith.constant 0 : i32
        %dma_wait3A_111 = arith.constant 0 : i32
        %dma_wait3A_112 = tpu.memref_slice %arg9[%dma_wait3A_109, %dma_wait3A_110, %dma_wait3A_111] : memref<2x800x16xf32, #tpu.memory_space<vmem>> -> memref<1x800x16xf32, #tpu.memory_space<vmem>>
        %dma_wait3A_113 = tpu.memref_squeeze %dma_wait3A_112 : memref<1x800x16xf32, #tpu.memory_space<vmem>> -> memref<800x16xf32, #tpu.memory_space<vmem>>
        %dma_wait3A_114 = arith.constant 0 : i32
        %dma_wait3A_115 = tpu.memref_slice %arg7[%dma_wait3A, %dma_wait3A_114] : memref<2x800xi32, #tpu.memory_space<vmem>> -> memref<1x800xi32, #tpu.memory_space<vmem>>
        %dma_wait3A_116 = tpu.memref_squeeze %dma_wait3A_115 : memref<1x800xi32, #tpu.memory_space<vmem>> -> memref<800xi32, #tpu.memory_space<vmem>>
        %dma_wait3A_117 = arith.constant 0 : i32
        %dma_wait3A_118 = arith.constant 0 : i32
        %dma_wait3A_119 = tpu.memref_slice %arg4[%add3A_0, %dma_wait3A_117, %dma_wait3A_118] : memref<4x100000x16xf32, #tpu.memory_space<hbm>> -> memref<1x100000x16xf32, #tpu.memory_space<hbm>>
        %dma_wait3A_120 = tpu.memref_squeeze %dma_wait3A_119 : memref<1x100000x16xf32, #tpu.memory_space<hbm>> -> memref<100000x16xf32, #tpu.memory_space<hbm>>
        %dma_wait3A_121 = arith.constant 0 : i32
        %dma_wait3A_122 = arith.constant 0 : i32
        %dma_wait3A_123 = tpu.memref_slice %dma_wait3A_120[%dma_wait3A_121, %dma_wait3A_122] : memref<100000x16xf32, #tpu.memory_space<hbm>> -> memref<100000x16xf32, #tpu.memory_space<hbm>>
        tpu.wait_indirect_dma semaphore(%arg11 : memref<!tpu.dma_semaphore, #tpu.memory_space<semaphore_mem>>) src(%dma_wait3A_123 : memref<100000x16xf32, #tpu.memory_space<hbm>>) dst(%dma_wait3A_113 : memref<800x16xf32, #tpu.memory_space<vmem>>)
      } else {
      }
      %eq3A_97 = arith.constant 1 : i32
      %eq3A_98 = arith.cmpi eq, %select_n3A_91, %eq3A_97 : i32
      %convert_element_type3A_99 = arith.extui %eq3A_98 : i1 to i32
      %cond3A_100 = arith.constant 0 : i32
      %cond3A_101 = arith.cmpi ne, %convert_element_type3A_99, %cond3A_100 : i32
      scf.if %cond3A_101 {
        %add3A_102 = arith.constant 1 : i32
        %add3A_103 = arith.addi %scan3A_80, %add3A_102 : i32
        %lt3A_104 = arith.constant 125 : i32
        %lt3A_105 = arith.cmpi slt, %add3A_103, %lt3A_104 : i32
        %convert_element_type3A_106 = arith.extui %lt3A_105 : i1 to i32
        %cond3A_107 = arith.constant 0 : i32
        %cond3A_108 = arith.cmpi ne, %convert_element_type3A_106, %cond3A_107 : i32
        scf.if %cond3A_108 {
          %add3A_124 = arith.constant 1 : i32
          %add3A_125 = arith.addi %scan3A_80, %add3A_124 : i32
          %mul3A_126 = arith.constant 800 : i32
          %mul3A_127 = arith.muli %add3A_125, %mul3A_126 : i32
          %add3A_128 = arith.addi %mul3A_3, %mul3A_127 : i32
          %run_scoped3A_129 = arith.constant 0 : i32
          "tpu.region"() ({
            %run_scoped3A_147 = tpu.sem_alloc : memref<!tpu.dma_semaphore, #tpu.memory_space<semaphore_mem>>
            %dma_start3A_148 = arith.constant 0 : i32
            %dma_start3A_149 = tpu.memref_slice %arg7[%run_scoped3A_129, %dma_start3A_148] : memref<2x800xi32, #tpu.memory_space<vmem>> -> memref<1x800xi32, #tpu.memory_space<vmem>>
            %dma_start3A_150 = tpu.memref_squeeze %dma_start3A_149 : memref<1x800xi32, #tpu.memory_space<vmem>> -> memref<800xi32, #tpu.memory_space<vmem>>
            %dma_start3A_151 = tpu.memref_slice %arg2[%add3A_128] : memref<1600000xi32, #tpu.memory_space<hbm>> -> memref<800xi32, #tpu.memory_space<hbm>>
            %dma_start3A_152 = arith.constant 0 : i32
            %dma_start3A_153 = tpu.memref_slice %arg7[%run_scoped3A_129, %dma_start3A_152] : memref<2x800xi32, #tpu.memory_space<vmem>> -> memref<1x800xi32, #tpu.memory_space<vmem>>
            %dma_start3A_154 = tpu.memref_squeeze %dma_start3A_153 : memref<1x800xi32, #tpu.memory_space<vmem>> -> memref<800xi32, #tpu.memory_space<vmem>>
            %dma_start3A_155 = tpu.memref_slice %arg2[%add3A_128] : memref<1600000xi32, #tpu.memory_space<hbm>> -> memref<800xi32, #tpu.memory_space<hbm>>
            tpu.enqueue_dma source(%dma_start3A_155 : memref<800xi32, #tpu.memory_space<hbm>>) target(%dma_start3A_154 : memref<800xi32, #tpu.memory_space<vmem>>) target_semaphore(%run_scoped3A_147 : memref<!tpu.dma_semaphore, #tpu.memory_space<semaphore_mem>>)
            %dma_wait3A_156 = arith.constant 0 : i32
            %dma_wait3A_157 = tpu.memref_slice %arg7[%run_scoped3A_129, %dma_wait3A_156] : memref<2x800xi32, #tpu.memory_space<vmem>> -> memref<1x800xi32, #tpu.memory_space<vmem>>
            %dma_wait3A_158 = tpu.memref_squeeze %dma_wait3A_157 : memref<1x800xi32, #tpu.memory_space<vmem>> -> memref<800xi32, #tpu.memory_space<vmem>>
            %dma_wait3A_159 = tpu.memref_slice %arg2[%add3A_128] : memref<1600000xi32, #tpu.memory_space<hbm>> -> memref<800xi32, #tpu.memory_space<hbm>>
            %dma_wait3A_160 = arith.constant 0 : i32
            %dma_wait3A_161 = tpu.memref_slice %arg7[%run_scoped3A_129, %dma_wait3A_160] : memref<2x800xi32, #tpu.memory_space<vmem>> -> memref<1x800xi32, #tpu.memory_space<vmem>>
            %dma_wait3A_162 = tpu.memref_squeeze %dma_wait3A_161 : memref<1x800xi32, #tpu.memory_space<vmem>> -> memref<800xi32, #tpu.memory_space<vmem>>
            %dma_wait3A_163 = tpu.memref_slice %arg2[%add3A_128] : memref<1600000xi32, #tpu.memory_space<hbm>> -> memref<800xi32, #tpu.memory_space<hbm>>
            tpu.wait_dma2 semaphore(%run_scoped3A_147 : memref<!tpu.dma_semaphore, #tpu.memory_space<semaphore_mem>>) src(%dma_wait3A_163 : memref<800xi32, #tpu.memory_space<hbm>>) dst(%dma_wait3A_162 : memref<800xi32, #tpu.memory_space<vmem>>)
            tpu.yield
          }) : () -> ()
          %run_scoped3A_130 = arith.constant 0 : i32
          "tpu.region"() ({
            %run_scoped3A_147 = tpu.sem_alloc : memref<!tpu.dma_semaphore, #tpu.memory_space<semaphore_mem>>
            %dma_start3A_148 = arith.constant 0 : i32
            %dma_start3A_149 = tpu.memref_slice %arg8[%run_scoped3A_130, %dma_start3A_148] : memref<2x800xi32, #tpu.memory_space<vmem>> -> memref<1x800xi32, #tpu.memory_space<vmem>>
            %dma_start3A_150 = tpu.memref_squeeze %dma_start3A_149 : memref<1x800xi32, #tpu.memory_space<vmem>> -> memref<800xi32, #tpu.memory_space<vmem>>
            %dma_start3A_151 = tpu.memref_slice %arg3[%add3A_128] : memref<1600000xi32, #tpu.memory_space<hbm>> -> memref<800xi32, #tpu.memory_space<hbm>>
            %dma_start3A_152 = arith.constant 0 : i32
            %dma_start3A_153 = tpu.memref_slice %arg8[%run_scoped3A_130, %dma_start3A_152] : memref<2x800xi32, #tpu.memory_space<vmem>> -> memref<1x800xi32, #tpu.memory_space<vmem>>
            %dma_start3A_154 = tpu.memref_squeeze %dma_start3A_153 : memref<1x800xi32, #tpu.memory_space<vmem>> -> memref<800xi32, #tpu.memory_space<vmem>>
            %dma_start3A_155 = tpu.memref_slice %arg3[%add3A_128] : memref<1600000xi32, #tpu.memory_space<hbm>> -> memref<800xi32, #tpu.memory_space<hbm>>
            tpu.enqueue_dma source(%dma_start3A_155 : memref<800xi32, #tpu.memory_space<hbm>>) target(%dma_start3A_154 : memref<800xi32, #tpu.memory_space<vmem>>) target_semaphore(%run_scoped3A_147 : memref<!tpu.dma_semaphore, #tpu.memory_space<semaphore_mem>>)
            %dma_wait3A_156 = arith.constant 0 : i32
            %dma_wait3A_157 = tpu.memref_slice %arg8[%run_scoped3A_130, %dma_wait3A_156] : memref<2x800xi32, #tpu.memory_space<vmem>> -> memref<1x800xi32, #tpu.memory_space<vmem>>
            %dma_wait3A_158 = tpu.memref_squeeze %dma_wait3A_157 : memref<1x800xi32, #tpu.memory_space<vmem>> -> memref<800xi32, #tpu.memory_space<vmem>>
            %dma_wait3A_159 = tpu.memref_slice %arg3[%add3A_128] : memref<1600000xi32, #tpu.memory_space<hbm>> -> memref<800xi32, #tpu.memory_space<hbm>>
            %dma_wait3A_160 = arith.constant 0 : i32
            %dma_wait3A_161 = tpu.memref_slice %arg8[%run_scoped3A_130, %dma_wait3A_160] : memref<2x800xi32, #tpu.memory_space<vmem>> -> memref<1x800xi32, #tpu.memory_space<vmem>>
            %dma_wait3A_162 = tpu.memref_squeeze %dma_wait3A_161 : memref<1x800xi32, #tpu.memory_space<vmem>> -> memref<800xi32, #tpu.memory_space<vmem>>
            %dma_wait3A_163 = tpu.memref_slice %arg3[%add3A_128] : memref<1600000xi32, #tpu.memory_space<hbm>> -> memref<800xi32, #tpu.memory_space<hbm>>
            tpu.wait_dma2 semaphore(%run_scoped3A_147 : memref<!tpu.dma_semaphore, #tpu.memory_space<semaphore_mem>>) src(%dma_wait3A_163 : memref<800xi32, #tpu.memory_space<hbm>>) dst(%dma_wait3A_162 : memref<800xi32, #tpu.memory_space<vmem>>)
            tpu.yield
          }) : () -> ()
          %dma_start3A_131 = arith.constant 0 : i32
          %dma_start3A_132 = arith.constant 0 : i32
          %dma_start3A_133 = arith.constant 0 : i32
          %dma_start3A_134 = arith.constant 0 : i32
          %dma_start3A_135 = tpu.memref_slice %arg9[%dma_start3A_132, %dma_start3A_133, %dma_start3A_134] : memref<2x800x16xf32, #tpu.memory_space<vmem>> -> memref<1x800x16xf32, #tpu.memory_space<vmem>>
          %dma_start3A_136 = tpu.memref_squeeze %dma_start3A_135 : memref<1x800x16xf32, #tpu.memory_space<vmem>> -> memref<800x16xf32, #tpu.memory_space<vmem>>
          %dma_start3A_137 = arith.constant 0 : i32
          %dma_start3A_138 = tpu.memref_slice %arg7[%dma_start3A_131, %dma_start3A_137] : memref<2x800xi32, #tpu.memory_space<vmem>> -> memref<1x800xi32, #tpu.memory_space<vmem>>
          %dma_start3A_139 = tpu.memref_squeeze %dma_start3A_138 : memref<1x800xi32, #tpu.memory_space<vmem>> -> memref<800xi32, #tpu.memory_space<vmem>>
          %dma_start3A_140 = arith.constant 0 : i32
          %dma_start3A_141 = arith.constant 0 : i32
          %dma_start3A_142 = tpu.memref_slice %arg4[%add3A_0, %dma_start3A_140, %dma_start3A_141] : memref<4x100000x16xf32, #tpu.memory_space<hbm>> -> memref<1x100000x16xf32, #tpu.memory_space<hbm>>
          %dma_start3A_143 = tpu.memref_squeeze %dma_start3A_142 : memref<1x100000x16xf32, #tpu.memory_space<hbm>> -> memref<100000x16xf32, #tpu.memory_space<hbm>>
          %dma_start3A_144 = arith.constant 0 : i32
          %dma_start3A_145 = arith.constant 0 : i32
          %dma_start3A_146 = tpu.memref_slice %dma_start3A_143[%dma_start3A_144, %dma_start3A_145] : memref<100000x16xf32, #tpu.memory_space<hbm>> -> memref<100000x16xf32, #tpu.memory_space<hbm>>
          tpu.enqueue_indirect_dma source(%dma_start3A_146 : memref<100000x16xf32, #tpu.memory_space<hbm>>) target(%dma_start3A_136 : memref<800x16xf32, #tpu.memory_space<vmem>>) offsets(%dma_start3A_139 : memref<800xi32, #tpu.memory_space<vmem>>) semaphore(%arg11 : memref<!tpu.dma_semaphore, #tpu.memory_space<semaphore_mem>>)
        } else {
        }
        %dma_wait3A = arith.constant 1 : i32
        %dma_wait3A_109 = arith.constant 1 : i32
        %dma_wait3A_110 = arith.constant 0 : i32
        %dma_wait3A_111 = arith.constant 0 : i32
        %dma_wait3A_112 = tpu.memref_slice %arg9[%dma_wait3A_109, %dma_wait3A_110, %dma_wait3A_111] : memref<2x800x16xf32, #tpu.memory_space<vmem>> -> memref<1x800x16xf32, #tpu.memory_space<vmem>>
        %dma_wait3A_113 = tpu.memref_squeeze %dma_wait3A_112 : memref<1x800x16xf32, #tpu.memory_space<vmem>> -> memref<800x16xf32, #tpu.memory_space<vmem>>
        %dma_wait3A_114 = arith.constant 0 : i32
        %dma_wait3A_115 = tpu.memref_slice %arg7[%dma_wait3A, %dma_wait3A_114] : memref<2x800xi32, #tpu.memory_space<vmem>> -> memref<1x800xi32, #tpu.memory_space<vmem>>
        %dma_wait3A_116 = tpu.memref_squeeze %dma_wait3A_115 : memref<1x800xi32, #tpu.memory_space<vmem>> -> memref<800xi32, #tpu.memory_space<vmem>>
        %dma_wait3A_117 = arith.constant 0 : i32
        %dma_wait3A_118 = arith.constant 0 : i32
        %dma_wait3A_119 = tpu.memref_slice %arg4[%add3A_0, %dma_wait3A_117, %dma_wait3A_118] : memref<4x100000x16xf32, #tpu.memory_space<hbm>> -> memref<1x100000x16xf32, #tpu.memory_space<hbm>>
        %dma_wait3A_120 = tpu.memref_squeeze %dma_wait3A_119 : memref<1x100000x16xf32, #tpu.memory_space<hbm>> -> memref<100000x16xf32, #tpu.memory_space<hbm>>
        %dma_wait3A_121 = arith.constant 0 : i32
        %dma_wait3A_122 = arith.constant 0 : i32
        %dma_wait3A_123 = tpu.memref_slice %dma_wait3A_120[%dma_wait3A_121, %dma_wait3A_122] : memref<100000x16xf32, #tpu.memory_space<hbm>> -> memref<100000x16xf32, #tpu.memory_space<hbm>>
        tpu.wait_indirect_dma semaphore(%arg12 : memref<!tpu.dma_semaphore, #tpu.memory_space<semaphore_mem>>) src(%dma_wait3A_123 : memref<100000x16xf32, #tpu.memory_space<hbm>>) dst(%dma_wait3A_113 : memref<800x16xf32, #tpu.memory_space<vmem>>)
      } else {
      }
      "tpu.region"() ({
        %run_scoped3A_102 = tpu.sem_alloc : memref<!tpu.dma_semaphore, #tpu.memory_space<semaphore_mem>>
        %dma_start3A_103 = arith.constant 0 : i32
        %dma_start3A_104 = arith.constant 0 : i32
        %dma_start3A_105 = tpu.memref_slice %arg9[%select_n3A_91, %dma_start3A_103, %dma_start3A_104] : memref<2x800x16xf32, #tpu.memory_space<vmem>> -> memref<1x800x16xf32, #tpu.memory_space<vmem>>
        %dma_start3A_106 = tpu.memref_squeeze %dma_start3A_105 : memref<1x800x16xf32, #tpu.memory_space<vmem>> -> memref<800x16xf32, #tpu.memory_space<vmem>>
        %dma_start3A_107 = arith.constant 0 : i32
        %dma_start3A_108 = tpu.memref_slice %arg8[%select_n3A_91, %dma_start3A_107] : memref<2x800xi32, #tpu.memory_space<vmem>> -> memref<1x800xi32, #tpu.memory_space<vmem>>
        %dma_start3A_109 = tpu.memref_squeeze %dma_start3A_108 : memref<1x800xi32, #tpu.memory_space<vmem>> -> memref<800xi32, #tpu.memory_space<vmem>>
        %dma_start3A_110 = arith.constant 0 : i32
        %dma_start3A_111 = arith.constant 0 : i32
        %dma_start3A_112 = tpu.memref_slice %arg10[%dma_start3A_110, %dma_start3A_111] : memref<100096x16xf32, #tpu.memory_space<vmem_shared>> -> memref<100096x16xf32, #tpu.memory_space<vmem_shared>>
        tpu.enqueue_indirect_dma source(%dma_start3A_106 : memref<800x16xf32, #tpu.memory_space<vmem>>) target(%dma_start3A_112 : memref<100096x16xf32, #tpu.memory_space<vmem_shared>>) offsets(%dma_start3A_109 : memref<800xi32, #tpu.memory_space<vmem>>) semaphore(%run_scoped3A_102 : memref<!tpu.dma_semaphore, #tpu.memory_space<semaphore_mem>>) {add = true}
        %dma_wait3A = arith.constant 0 : i32
        %dma_wait3A_113 = arith.constant 0 : i32
        %dma_wait3A_114 = tpu.memref_slice %arg9[%select_n3A_91, %dma_wait3A, %dma_wait3A_113] : memref<2x800x16xf32, #tpu.memory_space<vmem>> -> memref<1x800x16xf32, #tpu.memory_space<vmem>>
        %dma_wait3A_115 = tpu.memref_squeeze %dma_wait3A_114 : memref<1x800x16xf32, #tpu.memory_space<vmem>> -> memref<800x16xf32, #tpu.memory_space<vmem>>
        %dma_wait3A_116 = arith.constant 0 : i32
        %dma_wait3A_117 = tpu.memref_slice %arg8[%select_n3A_91, %dma_wait3A_116] : memref<2x800xi32, #tpu.memory_space<vmem>> -> memref<1x800xi32, #tpu.memory_space<vmem>>
        %dma_wait3A_118 = tpu.memref_squeeze %dma_wait3A_117 : memref<1x800xi32, #tpu.memory_space<vmem>> -> memref<800xi32, #tpu.memory_space<vmem>>
        %dma_wait3A_119 = arith.constant 0 : i32
        %dma_wait3A_120 = arith.constant 0 : i32
        %dma_wait3A_121 = tpu.memref_slice %arg10[%dma_wait3A_119, %dma_wait3A_120] : memref<100096x16xf32, #tpu.memory_space<vmem_shared>> -> memref<100096x16xf32, #tpu.memory_space<vmem_shared>>
        tpu.wait_indirect_dma semaphore(%run_scoped3A_102 : memref<!tpu.dma_semaphore, #tpu.memory_space<semaphore_mem>>) src(%dma_wait3A_115 : memref<800x16xf32, #tpu.memory_space<vmem>>) dst(%dma_wait3A_121 : memref<100096x16xf32, #tpu.memory_space<vmem_shared>>)
        tpu.yield
      }) : () -> ()
    }
    %scan3A_26 = arith.constant 125 : i32
    %barrier3A_27 = arith.constant 0 : index
    tpu.barrier barrier_id(%barrier3A_27)
    %lt3A = arith.constant 15 : i32
    %lt3A_28 = arith.cmpi slt, %arg1, %lt3A : i32
    %convert_element_type3A = arith.extui %lt3A_28 : i1 to i32
    %cond3A = arith.constant 0 : i32
    %cond3A_29 = arith.cmpi ne, %convert_element_type3A, %cond3A : i32
    scf.if %cond3A_29 {
      %mul3A_80 = arith.constant 6256 : i32
      %mul3A_81 = arith.muli %arg1, %mul3A_80 : i32
      "tpu.region"() ({
        %run_scoped3A_82 = tpu.sem_alloc : memref<!tpu.dma_semaphore, #tpu.memory_space<semaphore_mem>>
        %dma_start3A_83 = arith.constant 0 : i32
        %dma_start3A_84 = arith.constant 0 : i32
        %dma_start3A_85 = tpu.memref_slice %arg6[%add3A_0, %dma_start3A_83, %dma_start3A_84] : memref<4x100000x16xf32, #tpu.memory_space<hbm>> -> memref<1x100000x16xf32, #tpu.memory_space<hbm>>
        %dma_start3A_86 = tpu.memref_squeeze %dma_start3A_85 : memref<1x100000x16xf32, #tpu.memory_space<hbm>> -> memref<100000x16xf32, #tpu.memory_space<hbm>>
        %dma_start3A_87 = arith.constant 0 : i32
        %dma_start3A_88 = tpu.memref_slice %dma_start3A_86[%mul3A_81, %dma_start3A_87] : memref<100000x16xf32, #tpu.memory_space<hbm>> -> memref<6256x16xf32, #tpu.memory_space<hbm>>
        %dma_start3A_89 = arith.constant 0 : i32
        %dma_start3A_90 = tpu.memref_slice %arg10[%mul3A_81, %dma_start3A_89] : memref<100096x16xf32, #tpu.memory_space<vmem_shared>> -> memref<6256x16xf32, #tpu.memory_space<vmem_shared>>
        tpu.enqueue_dma source(%dma_start3A_90 : memref<6256x16xf32, #tpu.memory_space<vmem_shared>>) target(%dma_start3A_88 : memref<6256x16xf32, #tpu.memory_space<hbm>>) target_semaphore(%run_scoped3A_82 : memref<!tpu.dma_semaphore, #tpu.memory_space<semaphore_mem>>)
        %dma_wait3A = arith.constant 0 : i32
        %dma_wait3A_91 = arith.constant 0 : i32
        %dma_wait3A_92 = tpu.memref_slice %arg6[%add3A_0, %dma_wait3A, %dma_wait3A_91] : memref<4x100000x16xf32, #tpu.memory_space<hbm>> -> memref<1x100000x16xf32, #tpu.memory_space<hbm>>
        %dma_wait3A_93 = tpu.memref_squeeze %dma_wait3A_92 : memref<1x100000x16xf32, #tpu.memory_space<hbm>> -> memref<100000x16xf32, #tpu.memory_space<hbm>>
        %dma_wait3A_94 = arith.constant 0 : i32
        %dma_wait3A_95 = tpu.memref_slice %dma_wait3A_93[%mul3A_81, %dma_wait3A_94] : memref<100000x16xf32, #tpu.memory_space<hbm>> -> memref<6256x16xf32, #tpu.memory_space<hbm>>
        %dma_wait3A_96 = arith.constant 0 : i32
        %dma_wait3A_97 = tpu.memref_slice %arg10[%mul3A_81, %dma_wait3A_96] : memref<100096x16xf32, #tpu.memory_space<vmem_shared>> -> memref<6256x16xf32, #tpu.memory_space<vmem_shared>>
        tpu.wait_dma2 semaphore(%run_scoped3A_82 : memref<!tpu.dma_semaphore, #tpu.memory_space<semaphore_mem>>) src(%dma_wait3A_97 : memref<6256x16xf32, #tpu.memory_space<vmem_shared>>) dst(%dma_wait3A_95 : memref<6256x16xf32, #tpu.memory_space<hbm>>)
        tpu.yield
      }) : () -> ()
    } else {
    }
    %eq3A = arith.constant 15 : i32
    %eq3A_30 = arith.cmpi eq, %arg1, %eq3A : i32
    %convert_element_type3A_31 = arith.extui %eq3A_30 : i1 to i32
    %cond3A_32 = arith.constant 0 : i32
    %cond3A_33 = arith.cmpi ne, %convert_element_type3A_31, %cond3A_32 : i32
    scf.if %cond3A_33 {
      "tpu.region"() ({
        %run_scoped3A_80 = tpu.sem_alloc : memref<!tpu.dma_semaphore, #tpu.memory_space<semaphore_mem>>
        %dma_start3A_81 = arith.constant 0 : i32
        %dma_start3A_82 = arith.constant 0 : i32
        %dma_start3A_83 = tpu.memref_slice %arg6[%add3A_0, %dma_start3A_81, %dma_start3A_82] : memref<4x100000x16xf32, #tpu.memory_space<hbm>> -> memref<1x100000x16xf32, #tpu.memory_space<hbm>>
        %dma_start3A_84 = tpu.memref_squeeze %dma_start3A_83 : memref<1x100000x16xf32, #tpu.memory_space<hbm>> -> memref<100000x16xf32, #tpu.memory_space<hbm>>
        %dma_start3A_85 = arith.constant 93840 : i32
        %dma_start3A_86 = arith.constant 0 : i32
        %dma_start3A_87 = tpu.memref_slice %dma_start3A_84[%dma_start3A_85, %dma_start3A_86] : memref<100000x16xf32, #tpu.memory_space<hbm>> -> memref<6160x16xf32, #tpu.memory_space<hbm>>
        %dma_start3A_88 = arith.constant 93840 : i32
        %dma_start3A_89 = arith.constant 0 : i32
        %dma_start3A_90 = tpu.memref_slice %arg10[%dma_start3A_88, %dma_start3A_89] : memref<100096x16xf32, #tpu.memory_space<vmem_shared>> -> memref<6160x16xf32, #tpu.memory_space<vmem_shared>>
        tpu.enqueue_dma source(%dma_start3A_90 : memref<6160x16xf32, #tpu.memory_space<vmem_shared>>) target(%dma_start3A_87 : memref<6160x16xf32, #tpu.memory_space<hbm>>) target_semaphore(%run_scoped3A_80 : memref<!tpu.dma_semaphore, #tpu.memory_space<semaphore_mem>>)
        %dma_wait3A = arith.constant 0 : i32
        %dma_wait3A_91 = arith.constant 0 : i32
        %dma_wait3A_92 = tpu.memref_slice %arg6[%add3A_0, %dma_wait3A, %dma_wait3A_91] : memref<4x100000x16xf32, #tpu.memory_space<hbm>> -> memref<1x100000x16xf32, #tpu.memory_space<hbm>>
        %dma_wait3A_93 = tpu.memref_squeeze %dma_wait3A_92 : memref<1x100000x16xf32, #tpu.memory_space<hbm>> -> memref<100000x16xf32, #tpu.memory_space<hbm>>
        %dma_wait3A_94 = arith.constant 93840 : i32
        %dma_wait3A_95 = arith.constant 0 : i32
        %dma_wait3A_96 = tpu.memref_slice %dma_wait3A_93[%dma_wait3A_94, %dma_wait3A_95] : memref<100000x16xf32, #tpu.memory_space<hbm>> -> memref<6160x16xf32, #tpu.memory_space<hbm>>
        %dma_wait3A_97 = arith.constant 93840 : i32
        %dma_wait3A_98 = arith.constant 0 : i32
        %dma_wait3A_99 = tpu.memref_slice %arg10[%dma_wait3A_97, %dma_wait3A_98] : memref<100096x16xf32, #tpu.memory_space<vmem_shared>> -> memref<6160x16xf32, #tpu.memory_space<vmem_shared>>
        tpu.wait_dma2 semaphore(%run_scoped3A_80 : memref<!tpu.dma_semaphore, #tpu.memory_space<semaphore_mem>>) src(%dma_wait3A_99 : memref<6160x16xf32, #tpu.memory_space<vmem_shared>>) dst(%dma_wait3A_96 : memref<6160x16xf32, #tpu.memory_space<hbm>>)
        tpu.yield
      }) : () -> ()
    } else {
    }
    %barrier3A_34 = arith.constant 0 : index
    tpu.barrier barrier_id(%barrier3A_34)
    %add3A_35 = arith.constant 2 : i32
    %add3A_36 = arith.addi %add3A_35, %arg0 : i32
    %mul3A_37 = arith.constant 6256 : i32
    %mul3A_38 = arith.muli %arg1, %mul3A_37 : i32
    "tpu.region"() ({
      %run_scoped3A_80 = tpu.sem_alloc : memref<!tpu.dma_semaphore, #tpu.memory_space<semaphore_mem>>
      %dma_start3A_81 = arith.constant 0 : i32
      %dma_start3A_82 = tpu.memref_slice %arg10[%mul3A_38, %dma_start3A_81] : memref<100096x16xf32, #tpu.memory_space<vmem_shared>> -> memref<6256x16xf32, #tpu.memory_space<vmem_shared>>
      %dma_start3A_83 = arith.constant 0 : i32
      %dma_start3A_84 = tpu.memref_slice %arg5[%mul3A_38, %dma_start3A_83] : memref<100096x16xf32, #tpu.memory_space<hbm>> -> memref<6256x16xf32, #tpu.memory_space<hbm>>
      tpu.enqueue_dma source(%dma_start3A_84 : memref<6256x16xf32, #tpu.memory_space<hbm>>) target(%dma_start3A_82 : memref<6256x16xf32, #tpu.memory_space<vmem_shared>>) target_semaphore(%run_scoped3A_80 : memref<!tpu.dma_semaphore, #tpu.memory_space<semaphore_mem>>)
      %dma_wait3A = arith.constant 0 : i32
      %dma_wait3A_85 = tpu.memref_slice %arg10[%mul3A_38, %dma_wait3A] : memref<100096x16xf32, #tpu.memory_space<vmem_shared>> -> memref<6256x16xf32, #tpu.memory_space<vmem_shared>>
      %dma_wait3A_86 = arith.constant 0 : i32
      %dma_wait3A_87 = tpu.memref_slice %arg5[%mul3A_38, %dma_wait3A_86] : memref<100096x16xf32, #tpu.memory_space<hbm>> -> memref<6256x16xf32, #tpu.memory_space<hbm>>
      tpu.wait_dma2 semaphore(%run_scoped3A_80 : memref<!tpu.dma_semaphore, #tpu.memory_space<semaphore_mem>>) src(%dma_wait3A_87 : memref<6256x16xf32, #tpu.memory_space<hbm>>) dst(%dma_wait3A_85 : memref<6256x16xf32, #tpu.memory_space<vmem_shared>>)
      tpu.yield
    }) : () -> ()
    %barrier3A_39 = arith.constant 0 : index
    tpu.barrier barrier_id(%barrier3A_39)
    %mul3A_40 = arith.constant 100000 : i32
    %mul3A_41 = arith.muli %arg1, %mul3A_40 : i32
    %add3A_42 = arith.constant 0 : i32
    %add3A_43 = arith.addi %mul3A_41, %add3A_42 : i32
    %run_scoped3A_44 = arith.constant 0 : i32
    "tpu.region"() ({
      %run_scoped3A_80 = tpu.sem_alloc : memref<!tpu.dma_semaphore, #tpu.memory_space<semaphore_mem>>
      %dma_start3A_81 = arith.constant 0 : i32
      %dma_start3A_82 = tpu.memref_slice %arg7[%run_scoped3A_44, %dma_start3A_81] : memref<2x800xi32, #tpu.memory_space<vmem>> -> memref<1x800xi32, #tpu.memory_space<vmem>>
      %dma_start3A_83 = tpu.memref_squeeze %dma_start3A_82 : memref<1x800xi32, #tpu.memory_space<vmem>> -> memref<800xi32, #tpu.memory_space<vmem>>
      %dma_start3A_84 = tpu.memref_slice %arg2[%add3A_43] : memref<1600000xi32, #tpu.memory_space<hbm>> -> memref<800xi32, #tpu.memory_space<hbm>>
      %dma_start3A_85 = arith.constant 0 : i32
      %dma_start3A_86 = tpu.memref_slice %arg7[%run_scoped3A_44, %dma_start3A_85] : memref<2x800xi32, #tpu.memory_space<vmem>> -> memref<1x800xi32, #tpu.memory_space<vmem>>
      %dma_start3A_87 = tpu.memref_squeeze %dma_start3A_86 : memref<1x800xi32, #tpu.memory_space<vmem>> -> memref<800xi32, #tpu.memory_space<vmem>>
      %dma_start3A_88 = tpu.memref_slice %arg2[%add3A_43] : memref<1600000xi32, #tpu.memory_space<hbm>> -> memref<800xi32, #tpu.memory_space<hbm>>
      tpu.enqueue_dma source(%dma_start3A_88 : memref<800xi32, #tpu.memory_space<hbm>>) target(%dma_start3A_87 : memref<800xi32, #tpu.memory_space<vmem>>) target_semaphore(%run_scoped3A_80 : memref<!tpu.dma_semaphore, #tpu.memory_space<semaphore_mem>>)
      %dma_wait3A = arith.constant 0 : i32
      %dma_wait3A_89 = tpu.memref_slice %arg7[%run_scoped3A_44, %dma_wait3A] : memref<2x800xi32, #tpu.memory_space<vmem>> -> memref<1x800xi32, #tpu.memory_space<vmem>>
      %dma_wait3A_90 = tpu.memref_squeeze %dma_wait3A_89 : memref<1x800xi32, #tpu.memory_space<vmem>> -> memref<800xi32, #tpu.memory_space<vmem>>
      %dma_wait3A_91 = tpu.memref_slice %arg2[%add3A_43] : memref<1600000xi32, #tpu.memory_space<hbm>> -> memref<800xi32, #tpu.memory_space<hbm>>
      %dma_wait3A_92 = arith.constant 0 : i32
      %dma_wait3A_93 = tpu.memref_slice %arg7[%run_scoped3A_44, %dma_wait3A_92] : memref<2x800xi32, #tpu.memory_space<vmem>> -> memref<1x800xi32, #tpu.memory_space<vmem>>
      %dma_wait3A_94 = tpu.memref_squeeze %dma_wait3A_93 : memref<1x800xi32, #tpu.memory_space<vmem>> -> memref<800xi32, #tpu.memory_space<vmem>>
      %dma_wait3A_95 = tpu.memref_slice %arg2[%add3A_43] : memref<1600000xi32, #tpu.memory_space<hbm>> -> memref<800xi32, #tpu.memory_space<hbm>>
      tpu.wait_dma2 semaphore(%run_scoped3A_80 : memref<!tpu.dma_semaphore, #tpu.memory_space<semaphore_mem>>) src(%dma_wait3A_95 : memref<800xi32, #tpu.memory_space<hbm>>) dst(%dma_wait3A_94 : memref<800xi32, #tpu.memory_space<vmem>>)
      tpu.yield
    }) : () -> ()
    %run_scoped3A_45 = arith.constant 0 : i32
    "tpu.region"() ({
      %run_scoped3A_80 = tpu.sem_alloc : memref<!tpu.dma_semaphore, #tpu.memory_space<semaphore_mem>>
      %dma_start3A_81 = arith.constant 0 : i32
      %dma_start3A_82 = tpu.memref_slice %arg8[%run_scoped3A_45, %dma_start3A_81] : memref<2x800xi32, #tpu.memory_space<vmem>> -> memref<1x800xi32, #tpu.memory_space<vmem>>
      %dma_start3A_83 = tpu.memref_squeeze %dma_start3A_82 : memref<1x800xi32, #tpu.memory_space<vmem>> -> memref<800xi32, #tpu.memory_space<vmem>>
      %dma_start3A_84 = tpu.memref_slice %arg3[%add3A_43] : memref<1600000xi32, #tpu.memory_space<hbm>> -> memref<800xi32, #tpu.memory_space<hbm>>
      %dma_start3A_85 = arith.constant 0 : i32
      %dma_start3A_86 = tpu.memref_slice %arg8[%run_scoped3A_45, %dma_start3A_85] : memref<2x800xi32, #tpu.memory_space<vmem>> -> memref<1x800xi32, #tpu.memory_space<vmem>>
      %dma_start3A_87 = tpu.memref_squeeze %dma_start3A_86 : memref<1x800xi32, #tpu.memory_space<vmem>> -> memref<800xi32, #tpu.memory_space<vmem>>
      %dma_start3A_88 = tpu.memref_slice %arg3[%add3A_43] : memref<1600000xi32, #tpu.memory_space<hbm>> -> memref<800xi32, #tpu.memory_space<hbm>>
      tpu.enqueue_dma source(%dma_start3A_88 : memref<800xi32, #tpu.memory_space<hbm>>) target(%dma_start3A_87 : memref<800xi32, #tpu.memory_space<vmem>>) target_semaphore(%run_scoped3A_80 : memref<!tpu.dma_semaphore, #tpu.memory_space<semaphore_mem>>)
      %dma_wait3A = arith.constant 0 : i32
      %dma_wait3A_89 = tpu.memref_slice %arg8[%run_scoped3A_45, %dma_wait3A] : memref<2x800xi32, #tpu.memory_space<vmem>> -> memref<1x800xi32, #tpu.memory_space<vmem>>
      %dma_wait3A_90 = tpu.memref_squeeze %dma_wait3A_89 : memref<1x800xi32, #tpu.memory_space<vmem>> -> memref<800xi32, #tpu.memory_space<vmem>>
      %dma_wait3A_91 = tpu.memref_slice %arg3[%add3A_43] : memref<1600000xi32, #tpu.memory_space<hbm>> -> memref<800xi32, #tpu.memory_space<hbm>>
      %dma_wait3A_92 = arith.constant 0 : i32
      %dma_wait3A_93 = tpu.memref_slice %arg8[%run_scoped3A_45, %dma_wait3A_92] : memref<2x800xi32, #tpu.memory_space<vmem>> -> memref<1x800xi32, #tpu.memory_space<vmem>>
      %dma_wait3A_94 = tpu.memref_squeeze %dma_wait3A_93 : memref<1x800xi32, #tpu.memory_space<vmem>> -> memref<800xi32, #tpu.memory_space<vmem>>
      %dma_wait3A_95 = tpu.memref_slice %arg3[%add3A_43] : memref<1600000xi32, #tpu.memory_space<hbm>> -> memref<800xi32, #tpu.memory_space<hbm>>
      tpu.wait_dma2 semaphore(%run_scoped3A_80 : memref<!tpu.dma_semaphore, #tpu.memory_space<semaphore_mem>>) src(%dma_wait3A_95 : memref<800xi32, #tpu.memory_space<hbm>>) dst(%dma_wait3A_94 : memref<800xi32, #tpu.memory_space<vmem>>)
      tpu.yield
    }) : () -> ()
    %dma_start3A_46 = arith.constant 0 : i32
    %dma_start3A_47 = arith.constant 0 : i32
    %dma_start3A_48 = arith.constant 0 : i32
    %dma_start3A_49 = arith.constant 0 : i32
    %dma_start3A_50 = tpu.memref_slice %arg9[%dma_start3A_47, %dma_start3A_48, %dma_start3A_49] : memref<2x800x16xf32, #tpu.memory_space<vmem>> -> memref<1x800x16xf32, #tpu.memory_space<vmem>>
    %dma_start3A_51 = tpu.memref_squeeze %dma_start3A_50 : memref<1x800x16xf32, #tpu.memory_space<vmem>> -> memref<800x16xf32, #tpu.memory_space<vmem>>
    %dma_start3A_52 = arith.constant 0 : i32
    %dma_start3A_53 = tpu.memref_slice %arg7[%dma_start3A_46, %dma_start3A_52] : memref<2x800xi32, #tpu.memory_space<vmem>> -> memref<1x800xi32, #tpu.memory_space<vmem>>
    %dma_start3A_54 = tpu.memref_squeeze %dma_start3A_53 : memref<1x800xi32, #tpu.memory_space<vmem>> -> memref<800xi32, #tpu.memory_space<vmem>>
    %dma_start3A_55 = arith.constant 0 : i32
    %dma_start3A_56 = arith.constant 0 : i32
    %dma_start3A_57 = tpu.memref_slice %arg4[%add3A_36, %dma_start3A_55, %dma_start3A_56] : memref<4x100000x16xf32, #tpu.memory_space<hbm>> -> memref<1x100000x16xf32, #tpu.memory_space<hbm>>
    %dma_start3A_58 = tpu.memref_squeeze %dma_start3A_57 : memref<1x100000x16xf32, #tpu.memory_space<hbm>> -> memref<100000x16xf32, #tpu.memory_space<hbm>>
    %dma_start3A_59 = arith.constant 0 : i32
    %dma_start3A_60 = arith.constant 0 : i32
    %dma_start3A_61 = tpu.memref_slice %dma_start3A_58[%dma_start3A_59, %dma_start3A_60] : memref<100000x16xf32, #tpu.memory_space<hbm>> -> memref<100000x16xf32, #tpu.memory_space<hbm>>
    tpu.enqueue_indirect_dma source(%dma_start3A_61 : memref<100000x16xf32, #tpu.memory_space<hbm>>) target(%dma_start3A_51 : memref<800x16xf32, #tpu.memory_space<vmem>>) offsets(%dma_start3A_54 : memref<800xi32, #tpu.memory_space<vmem>>) semaphore(%arg11 : memref<!tpu.dma_semaphore, #tpu.memory_space<semaphore_mem>>)
    %scan3A_62 = arith.constant 0 : i32
    %scan3A_63 = arith.constant 0 : i32
    %scan3A_64 = arith.constant 125 : i32
    %scan3A_65 = arith.addi %scan3A_63, %scan3A_64 : i32
    %scan3A_66 = arith.constant 1 : i32
    scf.for %scan3A_80 = %scan3A_63 to %scan3A_65 step %scan3A_66  : i32 {
      %jit3A = arith.constant 2 : i32
      %eq3A_81 = arith.constant 0 : i32
      %eq3A_82 = arith.cmpi eq, %jit3A, %eq3A_81 : i32
      %jit3A_83 = arith.constant 1 : i32
      %select_n3A = arith.select %eq3A_82, %jit3A_83, %jit3A : i32
      %rem3A = arith.remsi %scan3A_80, %select_n3A : i32
      %ne3A = arith.constant 0 : i32
      %ne3A_84 = arith.cmpi ne, %rem3A, %ne3A : i32
      %lt3A_85 = arith.constant 0 : i32
      %lt3A_86 = arith.cmpi slt, %rem3A, %lt3A_85 : i32
      %lt3A_87 = arith.constant 0 : i32
      %lt3A_88 = arith.cmpi slt, %select_n3A, %lt3A_87 : i32
      %ne3A_89 = arith.xori %lt3A_86, %lt3A_88 : i1
      %and3A = arith.andi %ne3A_89, %ne3A_84 : i1
      %add3A_90 = arith.addi %rem3A, %select_n3A : i32
      %select_n3A_91 = arith.select %and3A, %add3A_90, %rem3A : i32
      %eq3A_92 = arith.constant 0 : i32
      %eq3A_93 = arith.cmpi eq, %select_n3A_91, %eq3A_92 : i32
      %convert_element_type3A_94 = arith.extui %eq3A_93 : i1 to i32
      %cond3A_95 = arith.constant 0 : i32
      %cond3A_96 = arith.cmpi ne, %convert_element_type3A_94, %cond3A_95 : i32
      scf.if %cond3A_96 {
        %add3A_102 = arith.constant 1 : i32
        %add3A_103 = arith.addi %scan3A_80, %add3A_102 : i32
        %lt3A_104 = arith.constant 125 : i32
        %lt3A_105 = arith.cmpi slt, %add3A_103, %lt3A_104 : i32
        %convert_element_type3A_106 = arith.extui %lt3A_105 : i1 to i32
        %cond3A_107 = arith.constant 0 : i32
        %cond3A_108 = arith.cmpi ne, %convert_element_type3A_106, %cond3A_107 : i32
        scf.if %cond3A_108 {
          %add3A_124 = arith.constant 1 : i32
          %add3A_125 = arith.addi %scan3A_80, %add3A_124 : i32
          %mul3A_126 = arith.constant 800 : i32
          %mul3A_127 = arith.muli %add3A_125, %mul3A_126 : i32
          %add3A_128 = arith.addi %mul3A_41, %mul3A_127 : i32
          %run_scoped3A_129 = arith.constant 1 : i32
          "tpu.region"() ({
            %run_scoped3A_147 = tpu.sem_alloc : memref<!tpu.dma_semaphore, #tpu.memory_space<semaphore_mem>>
            %dma_start3A_148 = arith.constant 0 : i32
            %dma_start3A_149 = tpu.memref_slice %arg7[%run_scoped3A_129, %dma_start3A_148] : memref<2x800xi32, #tpu.memory_space<vmem>> -> memref<1x800xi32, #tpu.memory_space<vmem>>
            %dma_start3A_150 = tpu.memref_squeeze %dma_start3A_149 : memref<1x800xi32, #tpu.memory_space<vmem>> -> memref<800xi32, #tpu.memory_space<vmem>>
            %dma_start3A_151 = tpu.memref_slice %arg2[%add3A_128] : memref<1600000xi32, #tpu.memory_space<hbm>> -> memref<800xi32, #tpu.memory_space<hbm>>
            %dma_start3A_152 = arith.constant 0 : i32
            %dma_start3A_153 = tpu.memref_slice %arg7[%run_scoped3A_129, %dma_start3A_152] : memref<2x800xi32, #tpu.memory_space<vmem>> -> memref<1x800xi32, #tpu.memory_space<vmem>>
            %dma_start3A_154 = tpu.memref_squeeze %dma_start3A_153 : memref<1x800xi32, #tpu.memory_space<vmem>> -> memref<800xi32, #tpu.memory_space<vmem>>
            %dma_start3A_155 = tpu.memref_slice %arg2[%add3A_128] : memref<1600000xi32, #tpu.memory_space<hbm>> -> memref<800xi32, #tpu.memory_space<hbm>>
            tpu.enqueue_dma source(%dma_start3A_155 : memref<800xi32, #tpu.memory_space<hbm>>) target(%dma_start3A_154 : memref<800xi32, #tpu.memory_space<vmem>>) target_semaphore(%run_scoped3A_147 : memref<!tpu.dma_semaphore, #tpu.memory_space<semaphore_mem>>)
            %dma_wait3A_156 = arith.constant 0 : i32
            %dma_wait3A_157 = tpu.memref_slice %arg7[%run_scoped3A_129, %dma_wait3A_156] : memref<2x800xi32, #tpu.memory_space<vmem>> -> memref<1x800xi32, #tpu.memory_space<vmem>>
            %dma_wait3A_158 = tpu.memref_squeeze %dma_wait3A_157 : memref<1x800xi32, #tpu.memory_space<vmem>> -> memref<800xi32, #tpu.memory_space<vmem>>
            %dma_wait3A_159 = tpu.memref_slice %arg2[%add3A_128] : memref<1600000xi32, #tpu.memory_space<hbm>> -> memref<800xi32, #tpu.memory_space<hbm>>
            %dma_wait3A_160 = arith.constant 0 : i32
            %dma_wait3A_161 = tpu.memref_slice %arg7[%run_scoped3A_129, %dma_wait3A_160] : memref<2x800xi32, #tpu.memory_space<vmem>> -> memref<1x800xi32, #tpu.memory_space<vmem>>
            %dma_wait3A_162 = tpu.memref_squeeze %dma_wait3A_161 : memref<1x800xi32, #tpu.memory_space<vmem>> -> memref<800xi32, #tpu.memory_space<vmem>>
            %dma_wait3A_163 = tpu.memref_slice %arg2[%add3A_128] : memref<1600000xi32, #tpu.memory_space<hbm>> -> memref<800xi32, #tpu.memory_space<hbm>>
            tpu.wait_dma2 semaphore(%run_scoped3A_147 : memref<!tpu.dma_semaphore, #tpu.memory_space<semaphore_mem>>) src(%dma_wait3A_163 : memref<800xi32, #tpu.memory_space<hbm>>) dst(%dma_wait3A_162 : memref<800xi32, #tpu.memory_space<vmem>>)
            tpu.yield
          }) : () -> ()
          %run_scoped3A_130 = arith.constant 1 : i32
          "tpu.region"() ({
            %run_scoped3A_147 = tpu.sem_alloc : memref<!tpu.dma_semaphore, #tpu.memory_space<semaphore_mem>>
            %dma_start3A_148 = arith.constant 0 : i32
            %dma_start3A_149 = tpu.memref_slice %arg8[%run_scoped3A_130, %dma_start3A_148] : memref<2x800xi32, #tpu.memory_space<vmem>> -> memref<1x800xi32, #tpu.memory_space<vmem>>
            %dma_start3A_150 = tpu.memref_squeeze %dma_start3A_149 : memref<1x800xi32, #tpu.memory_space<vmem>> -> memref<800xi32, #tpu.memory_space<vmem>>
            %dma_start3A_151 = tpu.memref_slice %arg3[%add3A_128] : memref<1600000xi32, #tpu.memory_space<hbm>> -> memref<800xi32, #tpu.memory_space<hbm>>
            %dma_start3A_152 = arith.constant 0 : i32
            %dma_start3A_153 = tpu.memref_slice %arg8[%run_scoped3A_130, %dma_start3A_152] : memref<2x800xi32, #tpu.memory_space<vmem>> -> memref<1x800xi32, #tpu.memory_space<vmem>>
            %dma_start3A_154 = tpu.memref_squeeze %dma_start3A_153 : memref<1x800xi32, #tpu.memory_space<vmem>> -> memref<800xi32, #tpu.memory_space<vmem>>
            %dma_start3A_155 = tpu.memref_slice %arg3[%add3A_128] : memref<1600000xi32, #tpu.memory_space<hbm>> -> memref<800xi32, #tpu.memory_space<hbm>>
            tpu.enqueue_dma source(%dma_start3A_155 : memref<800xi32, #tpu.memory_space<hbm>>) target(%dma_start3A_154 : memref<800xi32, #tpu.memory_space<vmem>>) target_semaphore(%run_scoped3A_147 : memref<!tpu.dma_semaphore, #tpu.memory_space<semaphore_mem>>)
            %dma_wait3A_156 = arith.constant 0 : i32
            %dma_wait3A_157 = tpu.memref_slice %arg8[%run_scoped3A_130, %dma_wait3A_156] : memref<2x800xi32, #tpu.memory_space<vmem>> -> memref<1x800xi32, #tpu.memory_space<vmem>>
            %dma_wait3A_158 = tpu.memref_squeeze %dma_wait3A_157 : memref<1x800xi32, #tpu.memory_space<vmem>> -> memref<800xi32, #tpu.memory_space<vmem>>
            %dma_wait3A_159 = tpu.memref_slice %arg3[%add3A_128] : memref<1600000xi32, #tpu.memory_space<hbm>> -> memref<800xi32, #tpu.memory_space<hbm>>
            %dma_wait3A_160 = arith.constant 0 : i32
            %dma_wait3A_161 = tpu.memref_slice %arg8[%run_scoped3A_130, %dma_wait3A_160] : memref<2x800xi32, #tpu.memory_space<vmem>> -> memref<1x800xi32, #tpu.memory_space<vmem>>
            %dma_wait3A_162 = tpu.memref_squeeze %dma_wait3A_161 : memref<1x800xi32, #tpu.memory_space<vmem>> -> memref<800xi32, #tpu.memory_space<vmem>>
            %dma_wait3A_163 = tpu.memref_slice %arg3[%add3A_128] : memref<1600000xi32, #tpu.memory_space<hbm>> -> memref<800xi32, #tpu.memory_space<hbm>>
            tpu.wait_dma2 semaphore(%run_scoped3A_147 : memref<!tpu.dma_semaphore, #tpu.memory_space<semaphore_mem>>) src(%dma_wait3A_163 : memref<800xi32, #tpu.memory_space<hbm>>) dst(%dma_wait3A_162 : memref<800xi32, #tpu.memory_space<vmem>>)
            tpu.yield
          }) : () -> ()
          %dma_start3A_131 = arith.constant 1 : i32
          %dma_start3A_132 = arith.constant 1 : i32
          %dma_start3A_133 = arith.constant 0 : i32
          %dma_start3A_134 = arith.constant 0 : i32
          %dma_start3A_135 = tpu.memref_slice %arg9[%dma_start3A_132, %dma_start3A_133, %dma_start3A_134] : memref<2x800x16xf32, #tpu.memory_space<vmem>> -> memref<1x800x16xf32, #tpu.memory_space<vmem>>
          %dma_start3A_136 = tpu.memref_squeeze %dma_start3A_135 : memref<1x800x16xf32, #tpu.memory_space<vmem>> -> memref<800x16xf32, #tpu.memory_space<vmem>>
          %dma_start3A_137 = arith.constant 0 : i32
          %dma_start3A_138 = tpu.memref_slice %arg7[%dma_start3A_131, %dma_start3A_137] : memref<2x800xi32, #tpu.memory_space<vmem>> -> memref<1x800xi32, #tpu.memory_space<vmem>>
          %dma_start3A_139 = tpu.memref_squeeze %dma_start3A_138 : memref<1x800xi32, #tpu.memory_space<vmem>> -> memref<800xi32, #tpu.memory_space<vmem>>
          %dma_start3A_140 = arith.constant 0 : i32
          %dma_start3A_141 = arith.constant 0 : i32
          %dma_start3A_142 = tpu.memref_slice %arg4[%add3A_36, %dma_start3A_140, %dma_start3A_141] : memref<4x100000x16xf32, #tpu.memory_space<hbm>> -> memref<1x100000x16xf32, #tpu.memory_space<hbm>>
          %dma_start3A_143 = tpu.memref_squeeze %dma_start3A_142 : memref<1x100000x16xf32, #tpu.memory_space<hbm>> -> memref<100000x16xf32, #tpu.memory_space<hbm>>
          %dma_start3A_144 = arith.constant 0 : i32
          %dma_start3A_145 = arith.constant 0 : i32
          %dma_start3A_146 = tpu.memref_slice %dma_start3A_143[%dma_start3A_144, %dma_start3A_145] : memref<100000x16xf32, #tpu.memory_space<hbm>> -> memref<100000x16xf32, #tpu.memory_space<hbm>>
          tpu.enqueue_indirect_dma source(%dma_start3A_146 : memref<100000x16xf32, #tpu.memory_space<hbm>>) target(%dma_start3A_136 : memref<800x16xf32, #tpu.memory_space<vmem>>) offsets(%dma_start3A_139 : memref<800xi32, #tpu.memory_space<vmem>>) semaphore(%arg12 : memref<!tpu.dma_semaphore, #tpu.memory_space<semaphore_mem>>)
        } else {
        }
        %dma_wait3A = arith.constant 0 : i32
        %dma_wait3A_109 = arith.constant 0 : i32
        %dma_wait3A_110 = arith.constant 0 : i32
        %dma_wait3A_111 = arith.constant 0 : i32
        %dma_wait3A_112 = tpu.memref_slice %arg9[%dma_wait3A_109, %dma_wait3A_110, %dma_wait3A_111] : memref<2x800x16xf32, #tpu.memory_space<vmem>> -> memref<1x800x16xf32, #tpu.memory_space<vmem>>
        %dma_wait3A_113 = tpu.memref_squeeze %dma_wait3A_112 : memref<1x800x16xf32, #tpu.memory_space<vmem>> -> memref<800x16xf32, #tpu.memory_space<vmem>>
        %dma_wait3A_114 = arith.constant 0 : i32
        %dma_wait3A_115 = tpu.memref_slice %arg7[%dma_wait3A, %dma_wait3A_114] : memref<2x800xi32, #tpu.memory_space<vmem>> -> memref<1x800xi32, #tpu.memory_space<vmem>>
        %dma_wait3A_116 = tpu.memref_squeeze %dma_wait3A_115 : memref<1x800xi32, #tpu.memory_space<vmem>> -> memref<800xi32, #tpu.memory_space<vmem>>
        %dma_wait3A_117 = arith.constant 0 : i32
        %dma_wait3A_118 = arith.constant 0 : i32
        %dma_wait3A_119 = tpu.memref_slice %arg4[%add3A_36, %dma_wait3A_117, %dma_wait3A_118] : memref<4x100000x16xf32, #tpu.memory_space<hbm>> -> memref<1x100000x16xf32, #tpu.memory_space<hbm>>
        %dma_wait3A_120 = tpu.memref_squeeze %dma_wait3A_119 : memref<1x100000x16xf32, #tpu.memory_space<hbm>> -> memref<100000x16xf32, #tpu.memory_space<hbm>>
        %dma_wait3A_121 = arith.constant 0 : i32
        %dma_wait3A_122 = arith.constant 0 : i32
        %dma_wait3A_123 = tpu.memref_slice %dma_wait3A_120[%dma_wait3A_121, %dma_wait3A_122] : memref<100000x16xf32, #tpu.memory_space<hbm>> -> memref<100000x16xf32, #tpu.memory_space<hbm>>
        tpu.wait_indirect_dma semaphore(%arg11 : memref<!tpu.dma_semaphore, #tpu.memory_space<semaphore_mem>>) src(%dma_wait3A_123 : memref<100000x16xf32, #tpu.memory_space<hbm>>) dst(%dma_wait3A_113 : memref<800x16xf32, #tpu.memory_space<vmem>>)
      } else {
      }
      %eq3A_97 = arith.constant 1 : i32
      %eq3A_98 = arith.cmpi eq, %select_n3A_91, %eq3A_97 : i32
      %convert_element_type3A_99 = arith.extui %eq3A_98 : i1 to i32
      %cond3A_100 = arith.constant 0 : i32
      %cond3A_101 = arith.cmpi ne, %convert_element_type3A_99, %cond3A_100 : i32
      scf.if %cond3A_101 {
        %add3A_102 = arith.constant 1 : i32
        %add3A_103 = arith.addi %scan3A_80, %add3A_102 : i32
        %lt3A_104 = arith.constant 125 : i32
        %lt3A_105 = arith.cmpi slt, %add3A_103, %lt3A_104 : i32
        %convert_element_type3A_106 = arith.extui %lt3A_105 : i1 to i32
        %cond3A_107 = arith.constant 0 : i32
        %cond3A_108 = arith.cmpi ne, %convert_element_type3A_106, %cond3A_107 : i32
        scf.if %cond3A_108 {
          %add3A_124 = arith.constant 1 : i32
          %add3A_125 = arith.addi %scan3A_80, %add3A_124 : i32
          %mul3A_126 = arith.constant 800 : i32
          %mul3A_127 = arith.muli %add3A_125, %mul3A_126 : i32
          %add3A_128 = arith.addi %mul3A_41, %mul3A_127 : i32
          %run_scoped3A_129 = arith.constant 0 : i32
          "tpu.region"() ({
            %run_scoped3A_147 = tpu.sem_alloc : memref<!tpu.dma_semaphore, #tpu.memory_space<semaphore_mem>>
            %dma_start3A_148 = arith.constant 0 : i32
            %dma_start3A_149 = tpu.memref_slice %arg7[%run_scoped3A_129, %dma_start3A_148] : memref<2x800xi32, #tpu.memory_space<vmem>> -> memref<1x800xi32, #tpu.memory_space<vmem>>
            %dma_start3A_150 = tpu.memref_squeeze %dma_start3A_149 : memref<1x800xi32, #tpu.memory_space<vmem>> -> memref<800xi32, #tpu.memory_space<vmem>>
            %dma_start3A_151 = tpu.memref_slice %arg2[%add3A_128] : memref<1600000xi32, #tpu.memory_space<hbm>> -> memref<800xi32, #tpu.memory_space<hbm>>
            %dma_start3A_152 = arith.constant 0 : i32
            %dma_start3A_153 = tpu.memref_slice %arg7[%run_scoped3A_129, %dma_start3A_152] : memref<2x800xi32, #tpu.memory_space<vmem>> -> memref<1x800xi32, #tpu.memory_space<vmem>>
            %dma_start3A_154 = tpu.memref_squeeze %dma_start3A_153 : memref<1x800xi32, #tpu.memory_space<vmem>> -> memref<800xi32, #tpu.memory_space<vmem>>
            %dma_start3A_155 = tpu.memref_slice %arg2[%add3A_128] : memref<1600000xi32, #tpu.memory_space<hbm>> -> memref<800xi32, #tpu.memory_space<hbm>>
            tpu.enqueue_dma source(%dma_start3A_155 : memref<800xi32, #tpu.memory_space<hbm>>) target(%dma_start3A_154 : memref<800xi32, #tpu.memory_space<vmem>>) target_semaphore(%run_scoped3A_147 : memref<!tpu.dma_semaphore, #tpu.memory_space<semaphore_mem>>)
            %dma_wait3A_156 = arith.constant 0 : i32
            %dma_wait3A_157 = tpu.memref_slice %arg7[%run_scoped3A_129, %dma_wait3A_156] : memref<2x800xi32, #tpu.memory_space<vmem>> -> memref<1x800xi32, #tpu.memory_space<vmem>>
            %dma_wait3A_158 = tpu.memref_squeeze %dma_wait3A_157 : memref<1x800xi32, #tpu.memory_space<vmem>> -> memref<800xi32, #tpu.memory_space<vmem>>
            %dma_wait3A_159 = tpu.memref_slice %arg2[%add3A_128] : memref<1600000xi32, #tpu.memory_space<hbm>> -> memref<800xi32, #tpu.memory_space<hbm>>
            %dma_wait3A_160 = arith.constant 0 : i32
            %dma_wait3A_161 = tpu.memref_slice %arg7[%run_scoped3A_129, %dma_wait3A_160] : memref<2x800xi32, #tpu.memory_space<vmem>> -> memref<1x800xi32, #tpu.memory_space<vmem>>
            %dma_wait3A_162 = tpu.memref_squeeze %dma_wait3A_161 : memref<1x800xi32, #tpu.memory_space<vmem>> -> memref<800xi32, #tpu.memory_space<vmem>>
            %dma_wait3A_163 = tpu.memref_slice %arg2[%add3A_128] : memref<1600000xi32, #tpu.memory_space<hbm>> -> memref<800xi32, #tpu.memory_space<hbm>>
            tpu.wait_dma2 semaphore(%run_scoped3A_147 : memref<!tpu.dma_semaphore, #tpu.memory_space<semaphore_mem>>) src(%dma_wait3A_163 : memref<800xi32, #tpu.memory_space<hbm>>) dst(%dma_wait3A_162 : memref<800xi32, #tpu.memory_space<vmem>>)
            tpu.yield
          }) : () -> ()
          %run_scoped3A_130 = arith.constant 0 : i32
          "tpu.region"() ({
            %run_scoped3A_147 = tpu.sem_alloc : memref<!tpu.dma_semaphore, #tpu.memory_space<semaphore_mem>>
            %dma_start3A_148 = arith.constant 0 : i32
            %dma_start3A_149 = tpu.memref_slice %arg8[%run_scoped3A_130, %dma_start3A_148] : memref<2x800xi32, #tpu.memory_space<vmem>> -> memref<1x800xi32, #tpu.memory_space<vmem>>
            %dma_start3A_150 = tpu.memref_squeeze %dma_start3A_149 : memref<1x800xi32, #tpu.memory_space<vmem>> -> memref<800xi32, #tpu.memory_space<vmem>>
            %dma_start3A_151 = tpu.memref_slice %arg3[%add3A_128] : memref<1600000xi32, #tpu.memory_space<hbm>> -> memref<800xi32, #tpu.memory_space<hbm>>
            %dma_start3A_152 = arith.constant 0 : i32
            %dma_start3A_153 = tpu.memref_slice %arg8[%run_scoped3A_130, %dma_start3A_152] : memref<2x800xi32, #tpu.memory_space<vmem>> -> memref<1x800xi32, #tpu.memory_space<vmem>>
            %dma_start3A_154 = tpu.memref_squeeze %dma_start3A_153 : memref<1x800xi32, #tpu.memory_space<vmem>> -> memref<800xi32, #tpu.memory_space<vmem>>
            %dma_start3A_155 = tpu.memref_slice %arg3[%add3A_128] : memref<1600000xi32, #tpu.memory_space<hbm>> -> memref<800xi32, #tpu.memory_space<hbm>>
            tpu.enqueue_dma source(%dma_start3A_155 : memref<800xi32, #tpu.memory_space<hbm>>) target(%dma_start3A_154 : memref<800xi32, #tpu.memory_space<vmem>>) target_semaphore(%run_scoped3A_147 : memref<!tpu.dma_semaphore, #tpu.memory_space<semaphore_mem>>)
            %dma_wait3A_156 = arith.constant 0 : i32
            %dma_wait3A_157 = tpu.memref_slice %arg8[%run_scoped3A_130, %dma_wait3A_156] : memref<2x800xi32, #tpu.memory_space<vmem>> -> memref<1x800xi32, #tpu.memory_space<vmem>>
            %dma_wait3A_158 = tpu.memref_squeeze %dma_wait3A_157 : memref<1x800xi32, #tpu.memory_space<vmem>> -> memref<800xi32, #tpu.memory_space<vmem>>
            %dma_wait3A_159 = tpu.memref_slice %arg3[%add3A_128] : memref<1600000xi32, #tpu.memory_space<hbm>> -> memref<800xi32, #tpu.memory_space<hbm>>
            %dma_wait3A_160 = arith.constant 0 : i32
            %dma_wait3A_161 = tpu.memref_slice %arg8[%run_scoped3A_130, %dma_wait3A_160] : memref<2x800xi32, #tpu.memory_space<vmem>> -> memref<1x800xi32, #tpu.memory_space<vmem>>
            %dma_wait3A_162 = tpu.memref_squeeze %dma_wait3A_161 : memref<1x800xi32, #tpu.memory_space<vmem>> -> memref<800xi32, #tpu.memory_space<vmem>>
            %dma_wait3A_163 = tpu.memref_slice %arg3[%add3A_128] : memref<1600000xi32, #tpu.memory_space<hbm>> -> memref<800xi32, #tpu.memory_space<hbm>>
            tpu.wait_dma2 semaphore(%run_scoped3A_147 : memref<!tpu.dma_semaphore, #tpu.memory_space<semaphore_mem>>) src(%dma_wait3A_163 : memref<800xi32, #tpu.memory_space<hbm>>) dst(%dma_wait3A_162 : memref<800xi32, #tpu.memory_space<vmem>>)
            tpu.yield
          }) : () -> ()
          %dma_start3A_131 = arith.constant 0 : i32
          %dma_start3A_132 = arith.constant 0 : i32
          %dma_start3A_133 = arith.constant 0 : i32
          %dma_start3A_134 = arith.constant 0 : i32
          %dma_start3A_135 = tpu.memref_slice %arg9[%dma_start3A_132, %dma_start3A_133, %dma_start3A_134] : memref<2x800x16xf32, #tpu.memory_space<vmem>> -> memref<1x800x16xf32, #tpu.memory_space<vmem>>
          %dma_start3A_136 = tpu.memref_squeeze %dma_start3A_135 : memref<1x800x16xf32, #tpu.memory_space<vmem>> -> memref<800x16xf32, #tpu.memory_space<vmem>>
          %dma_start3A_137 = arith.constant 0 : i32
          %dma_start3A_138 = tpu.memref_slice %arg7[%dma_start3A_131, %dma_start3A_137] : memref<2x800xi32, #tpu.memory_space<vmem>> -> memref<1x800xi32, #tpu.memory_space<vmem>>
          %dma_start3A_139 = tpu.memref_squeeze %dma_start3A_138 : memref<1x800xi32, #tpu.memory_space<vmem>> -> memref<800xi32, #tpu.memory_space<vmem>>
          %dma_start3A_140 = arith.constant 0 : i32
          %dma_start3A_141 = arith.constant 0 : i32
          %dma_start3A_142 = tpu.memref_slice %arg4[%add3A_36, %dma_start3A_140, %dma_start3A_141] : memref<4x100000x16xf32, #tpu.memory_space<hbm>> -> memref<1x100000x16xf32, #tpu.memory_space<hbm>>
          %dma_start3A_143 = tpu.memref_squeeze %dma_start3A_142 : memref<1x100000x16xf32, #tpu.memory_space<hbm>> -> memref<100000x16xf32, #tpu.memory_space<hbm>>
          %dma_start3A_144 = arith.constant 0 : i32
          %dma_start3A_145 = arith.constant 0 : i32
          %dma_start3A_146 = tpu.memref_slice %dma_start3A_143[%dma_start3A_144, %dma_start3A_145] : memref<100000x16xf32, #tpu.memory_space<hbm>> -> memref<100000x16xf32, #tpu.memory_space<hbm>>
          tpu.enqueue_indirect_dma source(%dma_start3A_146 : memref<100000x16xf32, #tpu.memory_space<hbm>>) target(%dma_start3A_136 : memref<800x16xf32, #tpu.memory_space<vmem>>) offsets(%dma_start3A_139 : memref<800xi32, #tpu.memory_space<vmem>>) semaphore(%arg11 : memref<!tpu.dma_semaphore, #tpu.memory_space<semaphore_mem>>)
        } else {
        }
        %dma_wait3A = arith.constant 1 : i32
        %dma_wait3A_109 = arith.constant 1 : i32
        %dma_wait3A_110 = arith.constant 0 : i32
        %dma_wait3A_111 = arith.constant 0 : i32
        %dma_wait3A_112 = tpu.memref_slice %arg9[%dma_wait3A_109, %dma_wait3A_110, %dma_wait3A_111] : memref<2x800x16xf32, #tpu.memory_space<vmem>> -> memref<1x800x16xf32, #tpu.memory_space<vmem>>
        %dma_wait3A_113 = tpu.memref_squeeze %dma_wait3A_112 : memref<1x800x16xf32, #tpu.memory_space<vmem>> -> memref<800x16xf32, #tpu.memory_space<vmem>>
        %dma_wait3A_114 = arith.constant 0 : i32
        %dma_wait3A_115 = tpu.memref_slice %arg7[%dma_wait3A, %dma_wait3A_114] : memref<2x800xi32, #tpu.memory_space<vmem>> -> memref<1x800xi32, #tpu.memory_space<vmem>>
        %dma_wait3A_116 = tpu.memref_squeeze %dma_wait3A_115 : memref<1x800xi32, #tpu.memory_space<vmem>> -> memref<800xi32, #tpu.memory_space<vmem>>
        %dma_wait3A_117 = arith.constant 0 : i32
        %dma_wait3A_118 = arith.constant 0 : i32
        %dma_wait3A_119 = tpu.memref_slice %arg4[%add3A_36, %dma_wait3A_117, %dma_wait3A_118] : memref<4x100000x16xf32, #tpu.memory_space<hbm>> -> memref<1x100000x16xf32, #tpu.memory_space<hbm>>
        %dma_wait3A_120 = tpu.memref_squeeze %dma_wait3A_119 : memref<1x100000x16xf32, #tpu.memory_space<hbm>> -> memref<100000x16xf32, #tpu.memory_space<hbm>>
        %dma_wait3A_121 = arith.constant 0 : i32
        %dma_wait3A_122 = arith.constant 0 : i32
        %dma_wait3A_123 = tpu.memref_slice %dma_wait3A_120[%dma_wait3A_121, %dma_wait3A_122] : memref<100000x16xf32, #tpu.memory_space<hbm>> -> memref<100000x16xf32, #tpu.memory_space<hbm>>
        tpu.wait_indirect_dma semaphore(%arg12 : memref<!tpu.dma_semaphore, #tpu.memory_space<semaphore_mem>>) src(%dma_wait3A_123 : memref<100000x16xf32, #tpu.memory_space<hbm>>) dst(%dma_wait3A_113 : memref<800x16xf32, #tpu.memory_space<vmem>>)
      } else {
      }
      "tpu.region"() ({
        %run_scoped3A_102 = tpu.sem_alloc : memref<!tpu.dma_semaphore, #tpu.memory_space<semaphore_mem>>
        %dma_start3A_103 = arith.constant 0 : i32
        %dma_start3A_104 = arith.constant 0 : i32
        %dma_start3A_105 = tpu.memref_slice %arg9[%select_n3A_91, %dma_start3A_103, %dma_start3A_104] : memref<2x800x16xf32, #tpu.memory_space<vmem>> -> memref<1x800x16xf32, #tpu.memory_space<vmem>>
        %dma_start3A_106 = tpu.memref_squeeze %dma_start3A_105 : memref<1x800x16xf32, #tpu.memory_space<vmem>> -> memref<800x16xf32, #tpu.memory_space<vmem>>
        %dma_start3A_107 = arith.constant 0 : i32
        %dma_start3A_108 = tpu.memref_slice %arg8[%select_n3A_91, %dma_start3A_107] : memref<2x800xi32, #tpu.memory_space<vmem>> -> memref<1x800xi32, #tpu.memory_space<vmem>>
        %dma_start3A_109 = tpu.memref_squeeze %dma_start3A_108 : memref<1x800xi32, #tpu.memory_space<vmem>> -> memref<800xi32, #tpu.memory_space<vmem>>
        %dma_start3A_110 = arith.constant 0 : i32
        %dma_start3A_111 = arith.constant 0 : i32
        %dma_start3A_112 = tpu.memref_slice %arg10[%dma_start3A_110, %dma_start3A_111] : memref<100096x16xf32, #tpu.memory_space<vmem_shared>> -> memref<100096x16xf32, #tpu.memory_space<vmem_shared>>
        tpu.enqueue_indirect_dma source(%dma_start3A_106 : memref<800x16xf32, #tpu.memory_space<vmem>>) target(%dma_start3A_112 : memref<100096x16xf32, #tpu.memory_space<vmem_shared>>) offsets(%dma_start3A_109 : memref<800xi32, #tpu.memory_space<vmem>>) semaphore(%run_scoped3A_102 : memref<!tpu.dma_semaphore, #tpu.memory_space<semaphore_mem>>) {add = true}
        %dma_wait3A = arith.constant 0 : i32
        %dma_wait3A_113 = arith.constant 0 : i32
        %dma_wait3A_114 = tpu.memref_slice %arg9[%select_n3A_91, %dma_wait3A, %dma_wait3A_113] : memref<2x800x16xf32, #tpu.memory_space<vmem>> -> memref<1x800x16xf32, #tpu.memory_space<vmem>>
        %dma_wait3A_115 = tpu.memref_squeeze %dma_wait3A_114 : memref<1x800x16xf32, #tpu.memory_space<vmem>> -> memref<800x16xf32, #tpu.memory_space<vmem>>
        %dma_wait3A_116 = arith.constant 0 : i32
        %dma_wait3A_117 = tpu.memref_slice %arg8[%select_n3A_91, %dma_wait3A_116] : memref<2x800xi32, #tpu.memory_space<vmem>> -> memref<1x800xi32, #tpu.memory_space<vmem>>
        %dma_wait3A_118 = tpu.memref_squeeze %dma_wait3A_117 : memref<1x800xi32, #tpu.memory_space<vmem>> -> memref<800xi32, #tpu.memory_space<vmem>>
        %dma_wait3A_119 = arith.constant 0 : i32
        %dma_wait3A_120 = arith.constant 0 : i32
        %dma_wait3A_121 = tpu.memref_slice %arg10[%dma_wait3A_119, %dma_wait3A_120] : memref<100096x16xf32, #tpu.memory_space<vmem_shared>> -> memref<100096x16xf32, #tpu.memory_space<vmem_shared>>
        tpu.wait_indirect_dma semaphore(%run_scoped3A_102 : memref<!tpu.dma_semaphore, #tpu.memory_space<semaphore_mem>>) src(%dma_wait3A_115 : memref<800x16xf32, #tpu.memory_space<vmem>>) dst(%dma_wait3A_121 : memref<100096x16xf32, #tpu.memory_space<vmem_shared>>)
        tpu.yield
      }) : () -> ()
    }
    %scan3A_67 = arith.constant 125 : i32
    %barrier3A_68 = arith.constant 0 : index
    tpu.barrier barrier_id(%barrier3A_68)
    %lt3A_69 = arith.constant 15 : i32
    %lt3A_70 = arith.cmpi slt, %arg1, %lt3A_69 : i32
    %convert_element_type3A_71 = arith.extui %lt3A_70 : i1 to i32
    %cond3A_72 = arith.constant 0 : i32
    %cond3A_73 = arith.cmpi ne, %convert_element_type3A_71, %cond3A_72 : i32
    scf.if %cond3A_73 {
      %mul3A_80 = arith.constant 6256 : i32
      %mul3A_81 = arith.muli %arg1, %mul3A_80 : i32
      "tpu.region"() ({
        %run_scoped3A_82 = tpu.sem_alloc : memref<!tpu.dma_semaphore, #tpu.memory_space<semaphore_mem>>
        %dma_start3A_83 = arith.constant 0 : i32
        %dma_start3A_84 = arith.constant 0 : i32
        %dma_start3A_85 = tpu.memref_slice %arg6[%add3A_36, %dma_start3A_83, %dma_start3A_84] : memref<4x100000x16xf32, #tpu.memory_space<hbm>> -> memref<1x100000x16xf32, #tpu.memory_space<hbm>>
        %dma_start3A_86 = tpu.memref_squeeze %dma_start3A_85 : memref<1x100000x16xf32, #tpu.memory_space<hbm>> -> memref<100000x16xf32, #tpu.memory_space<hbm>>
        %dma_start3A_87 = arith.constant 0 : i32
        %dma_start3A_88 = tpu.memref_slice %dma_start3A_86[%mul3A_81, %dma_start3A_87] : memref<100000x16xf32, #tpu.memory_space<hbm>> -> memref<6256x16xf32, #tpu.memory_space<hbm>>
        %dma_start3A_89 = arith.constant 0 : i32
        %dma_start3A_90 = tpu.memref_slice %arg10[%mul3A_81, %dma_start3A_89] : memref<100096x16xf32, #tpu.memory_space<vmem_shared>> -> memref<6256x16xf32, #tpu.memory_space<vmem_shared>>
        tpu.enqueue_dma source(%dma_start3A_90 : memref<6256x16xf32, #tpu.memory_space<vmem_shared>>) target(%dma_start3A_88 : memref<6256x16xf32, #tpu.memory_space<hbm>>) target_semaphore(%run_scoped3A_82 : memref<!tpu.dma_semaphore, #tpu.memory_space<semaphore_mem>>)
        %dma_wait3A = arith.constant 0 : i32
        %dma_wait3A_91 = arith.constant 0 : i32
        %dma_wait3A_92 = tpu.memref_slice %arg6[%add3A_36, %dma_wait3A, %dma_wait3A_91] : memref<4x100000x16xf32, #tpu.memory_space<hbm>> -> memref<1x100000x16xf32, #tpu.memory_space<hbm>>
        %dma_wait3A_93 = tpu.memref_squeeze %dma_wait3A_92 : memref<1x100000x16xf32, #tpu.memory_space<hbm>> -> memref<100000x16xf32, #tpu.memory_space<hbm>>
        %dma_wait3A_94 = arith.constant 0 : i32
        %dma_wait3A_95 = tpu.memref_slice %dma_wait3A_93[%mul3A_81, %dma_wait3A_94] : memref<100000x16xf32, #tpu.memory_space<hbm>> -> memref<6256x16xf32, #tpu.memory_space<hbm>>
        %dma_wait3A_96 = arith.constant 0 : i32
        %dma_wait3A_97 = tpu.memref_slice %arg10[%mul3A_81, %dma_wait3A_96] : memref<100096x16xf32, #tpu.memory_space<vmem_shared>> -> memref<6256x16xf32, #tpu.memory_space<vmem_shared>>
        tpu.wait_dma2 semaphore(%run_scoped3A_82 : memref<!tpu.dma_semaphore, #tpu.memory_space<semaphore_mem>>) src(%dma_wait3A_97 : memref<6256x16xf32, #tpu.memory_space<vmem_shared>>) dst(%dma_wait3A_95 : memref<6256x16xf32, #tpu.memory_space<hbm>>)
        tpu.yield
      }) : () -> ()
    } else {
    }
    %eq3A_74 = arith.constant 15 : i32
    %eq3A_75 = arith.cmpi eq, %arg1, %eq3A_74 : i32
    %convert_element_type3A_76 = arith.extui %eq3A_75 : i1 to i32
    %cond3A_77 = arith.constant 0 : i32
    %cond3A_78 = arith.cmpi ne, %convert_element_type3A_76, %cond3A_77 : i32
    scf.if %cond3A_78 {
      "tpu.region"() ({
        %run_scoped3A_80 = tpu.sem_alloc : memref<!tpu.dma_semaphore, #tpu.memory_space<semaphore_mem>>
        %dma_start3A_81 = arith.constant 0 : i32
        %dma_start3A_82 = arith.constant 0 : i32
        %dma_start3A_83 = tpu.memref_slice %arg6[%add3A_36, %dma_start3A_81, %dma_start3A_82] : memref<4x100000x16xf32, #tpu.memory_space<hbm>> -> memref<1x100000x16xf32, #tpu.memory_space<hbm>>
        %dma_start3A_84 = tpu.memref_squeeze %dma_start3A_83 : memref<1x100000x16xf32, #tpu.memory_space<hbm>> -> memref<100000x16xf32, #tpu.memory_space<hbm>>
        %dma_start3A_85 = arith.constant 93840 : i32
        %dma_start3A_86 = arith.constant 0 : i32
        %dma_start3A_87 = tpu.memref_slice %dma_start3A_84[%dma_start3A_85, %dma_start3A_86] : memref<100000x16xf32, #tpu.memory_space<hbm>> -> memref<6160x16xf32, #tpu.memory_space<hbm>>
        %dma_start3A_88 = arith.constant 93840 : i32
        %dma_start3A_89 = arith.constant 0 : i32
        %dma_start3A_90 = tpu.memref_slice %arg10[%dma_start3A_88, %dma_start3A_89] : memref<100096x16xf32, #tpu.memory_space<vmem_shared>> -> memref<6160x16xf32, #tpu.memory_space<vmem_shared>>
        tpu.enqueue_dma source(%dma_start3A_90 : memref<6160x16xf32, #tpu.memory_space<vmem_shared>>) target(%dma_start3A_87 : memref<6160x16xf32, #tpu.memory_space<hbm>>) target_semaphore(%run_scoped3A_80 : memref<!tpu.dma_semaphore, #tpu.memory_space<semaphore_mem>>)
        %dma_wait3A = arith.constant 0 : i32
        %dma_wait3A_91 = arith.constant 0 : i32
        %dma_wait3A_92 = tpu.memref_slice %arg6[%add3A_36, %dma_wait3A, %dma_wait3A_91] : memref<4x100000x16xf32, #tpu.memory_space<hbm>> -> memref<1x100000x16xf32, #tpu.memory_space<hbm>>
        %dma_wait3A_93 = tpu.memref_squeeze %dma_wait3A_92 : memref<1x100000x16xf32, #tpu.memory_space<hbm>> -> memref<100000x16xf32, #tpu.memory_space<hbm>>
        %dma_wait3A_94 = arith.constant 93840 : i32
        %dma_wait3A_95 = arith.constant 0 : i32
        %dma_wait3A_96 = tpu.memref_slice %dma_wait3A_93[%dma_wait3A_94, %dma_wait3A_95] : memref<100000x16xf32, #tpu.memory_space<hbm>> -> memref<6160x16xf32, #tpu.memory_space<hbm>>
        %dma_wait3A_97 = arith.constant 93840 : i32
        %dma_wait3A_98 = arith.constant 0 : i32
        %dma_wait3A_99 = tpu.memref_slice %arg10[%dma_wait3A_97, %dma_wait3A_98] : memref<100096x16xf32, #tpu.memory_space<vmem_shared>> -> memref<6160x16xf32, #tpu.memory_space<vmem_shared>>
        tpu.wait_dma2 semaphore(%run_scoped3A_80 : memref<!tpu.dma_semaphore, #tpu.memory_space<semaphore_mem>>) src(%dma_wait3A_99 : memref<6160x16xf32, #tpu.memory_space<vmem_shared>>) dst(%dma_wait3A_96 : memref<6160x16xf32, #tpu.memory_space<hbm>>)
        tpu.yield
      }) : () -> ()
    } else {
    }
    %barrier3A_79 = arith.constant 0 : index
    tpu.barrier barrier_id(%barrier3A_79)
    return
  }
}

module attributes {stable_mosaic.version = 14 : i64} {
  func.func @_tc1_body(%arg0: i32, %arg1: memref<2x2000x1xf32, #tpu.memory_space<vmem>>, %arg2: memref<1x64xf32, #tpu.memory_space<vmem>>, %arg3: memref<1x64xf32, #tpu.memory_space<vmem>>, %arg4: memref<2000x64xf32, #tpu.memory_space<vmem>>, %arg5: memref<4x2000x16xf32, #tpu.memory_space<vmem>>) attributes {dimension_semantics = [#tpu.dimension_semantics<arbitrary>], iteration_bounds = array<i64: 50>, scalar_prefetch = 0 : i64, scratch_operands = 0 : i64, tpu.core_type = #tpu.core_type<tc>, window_params = [{transform_indices = @transform_0, window_bounds = array<i64: 2, 2000, 1>}, {pipeline_mode = #tpu.pipeline_mode<synchronous>, transform_indices = @transform_1, window_bounds = array<i64: 1, 64>}, {pipeline_mode = #tpu.pipeline_mode<synchronous>, transform_indices = @transform_2, window_bounds = array<i64: 1, 64>}, {transform_indices = @transform_3, window_bounds = array<i64: 2000, 64>}, {transform_indices = @transform_4, window_bounds = array<i64: 4, 2000, 16>}]} {
    %get3A = arith.constant 0 : index
    %get3A_0 = arith.constant 0 : index
    %get3A_1 = arith.constant 0 : index
    %get3A_2 = vector.load %arg1[%get3A, %get3A_0, %get3A_1] : memref<2x2000x1xf32, #tpu.memory_space<vmem>>, vector<1x2000x1xf32>
    %get3A_3 = vector.shape_cast %get3A_2 : vector<1x2000x1xf32> to vector<2000x1xf32>
    %get3A_4 = arith.constant 1 : index
    %get3A_5 = arith.constant 0 : index
    %get3A_6 = arith.constant 0 : index
    %get3A_7 = vector.load %arg1[%get3A_4, %get3A_5, %get3A_6] : memref<2x2000x1xf32, #tpu.memory_space<vmem>>, vector<1x2000x1xf32>
    %get3A_8 = vector.shape_cast %get3A_7 : vector<1x2000x1xf32> to vector<2000x1xf32>
    %add3A = arith.addf %get3A_3, %get3A_8 : vector<2000x1xf32>
    %get3A_9 = arith.constant 0 : index
    %get3A_10 = arith.constant 0 : index
    %get3A_11 = vector.load %arg2[%get3A_9, %get3A_10] : memref<1x64xf32, #tpu.memory_space<vmem>>, vector<1x64xf32>
    %mul3A = vector.broadcast %add3A : vector<2000x1xf32> to vector<2000x64xf32>
    %mul3A_12 = vector.broadcast %get3A_11 : vector<1x64xf32> to vector<2000x64xf32>
    %mul3A_13 = arith.mulf %mul3A, %mul3A_12 : vector<2000x64xf32>
    %get3A_14 = arith.constant 0 : index
    %get3A_15 = arith.constant 0 : index
    %get3A_16 = vector.load %arg3[%get3A_14, %get3A_15] : memref<1x64xf32, #tpu.memory_space<vmem>>, vector<1x64xf32>
    %add3A_17 = vector.broadcast %get3A_16 : vector<1x64xf32> to vector<2000x64xf32>
    %add3A_18 = arith.addf %mul3A_13, %add3A_17 : vector<2000x64xf32>
    %max3A = arith.constant 0.000000e+00 : f32
    %max3A_19 = vector.broadcast %max3A : f32 to vector<2000x64xf32>
    %max3A_20 = arith.maximumf %add3A_18, %max3A_19 : vector<2000x64xf32>
    %swap3A = arith.constant 0 : index
    %swap3A_21 = arith.constant 0 : index
    %swap3A_22 = vector.load %arg4[%swap3A, %swap3A_21] : memref<2000x64xf32, #tpu.memory_space<vmem>>, vector<2000x64xf32>
    tpu.vector_store %arg4[%swap3A, %swap3A_21], %max3A_20 {strides = array<i32>} : memref<2000x64xf32, #tpu.memory_space<vmem>>, vector<2000x64xf32>,
    %slice3A = vector.extract_strided_slice %max3A_20 {offsets = [0, 0], sizes = [2000, 16], strides = [1, 1]} : vector<2000x64xf32> to vector<2000x16xf32>
    %swap3A_23 = arith.constant 0 : index
    %swap3A_24 = arith.constant 0 : index
    %swap3A_25 = arith.constant 0 : index
    %swap3A_26 = vector.load %arg5[%swap3A_23, %swap3A_24, %swap3A_25] : memref<4x2000x16xf32, #tpu.memory_space<vmem>>, vector<1x2000x16xf32>
    %swap3A_27 = vector.shape_cast %swap3A_26 : vector<1x2000x16xf32> to vector<2000x16xf32>
    %swap3A_28 = vector.shape_cast %slice3A : vector<2000x16xf32> to vector<1x2000x16xf32>
    tpu.vector_store %arg5[%swap3A_23, %swap3A_24, %swap3A_25], %swap3A_28 {strides = array<i32>} : memref<4x2000x16xf32, #tpu.memory_space<vmem>>, vector<1x2000x16xf32>,
    %slice3A_29 = vector.extract_strided_slice %max3A_20 {offsets = [0, 16], sizes = [2000, 16], strides = [1, 1]} : vector<2000x64xf32> to vector<2000x16xf32>
    %swap3A_30 = arith.constant 1 : index
    %swap3A_31 = arith.constant 0 : index
    %swap3A_32 = arith.constant 0 : index
    %swap3A_33 = vector.load %arg5[%swap3A_30, %swap3A_31, %swap3A_32] : memref<4x2000x16xf32, #tpu.memory_space<vmem>>, vector<1x2000x16xf32>
    %swap3A_34 = vector.shape_cast %swap3A_33 : vector<1x2000x16xf32> to vector<2000x16xf32>
    %swap3A_35 = vector.shape_cast %slice3A_29 : vector<2000x16xf32> to vector<1x2000x16xf32>
    tpu.vector_store %arg5[%swap3A_30, %swap3A_31, %swap3A_32], %swap3A_35 {strides = array<i32>} : memref<4x2000x16xf32, #tpu.memory_space<vmem>>, vector<1x2000x16xf32>,
    %slice3A_36 = vector.extract_strided_slice %max3A_20 {offsets = [0, 32], sizes = [2000, 16], strides = [1, 1]} : vector<2000x64xf32> to vector<2000x16xf32>
    %swap3A_37 = arith.constant 2 : index
    %swap3A_38 = arith.constant 0 : index
    %swap3A_39 = arith.constant 0 : index
    %swap3A_40 = vector.load %arg5[%swap3A_37, %swap3A_38, %swap3A_39] : memref<4x2000x16xf32, #tpu.memory_space<vmem>>, vector<1x2000x16xf32>
    %swap3A_41 = vector.shape_cast %swap3A_40 : vector<1x2000x16xf32> to vector<2000x16xf32>
    %swap3A_42 = vector.shape_cast %slice3A_36 : vector<2000x16xf32> to vector<1x2000x16xf32>
    tpu.vector_store %arg5[%swap3A_37, %swap3A_38, %swap3A_39], %swap3A_42 {strides = array<i32>} : memref<4x2000x16xf32, #tpu.memory_space<vmem>>, vector<1x2000x16xf32>,
    %slice3A_43 = vector.extract_strided_slice %max3A_20 {offsets = [0, 48], sizes = [2000, 16], strides = [1, 1]} : vector<2000x64xf32> to vector<2000x16xf32>
    %swap3A_44 = arith.constant 3 : index
    %swap3A_45 = arith.constant 0 : index
    %swap3A_46 = arith.constant 0 : index
    %swap3A_47 = vector.load %arg5[%swap3A_44, %swap3A_45, %swap3A_46] : memref<4x2000x16xf32, #tpu.memory_space<vmem>>, vector<1x2000x16xf32>
    %swap3A_48 = vector.shape_cast %swap3A_47 : vector<1x2000x16xf32> to vector<2000x16xf32>
    %swap3A_49 = vector.shape_cast %slice3A_43 : vector<2000x16xf32> to vector<1x2000x16xf32>
    tpu.vector_store %arg5[%swap3A_44, %swap3A_45, %swap3A_46], %swap3A_49 {strides = array<i32>} : memref<4x2000x16xf32, #tpu.memory_space<vmem>>, vector<1x2000x16xf32>,
    return
  }
  func.func @transform_0(%arg0: i32) -> (i32, i32, i32) {
    %c0_i32 = arith.constant 0 : i32
    %c0_i32_0 = arith.constant 0 : i32
    %c0_i32_1 = arith.constant 0 : i32
    return %c0_i32, %arg0, %c0_i32_0 : i32, i32, i32
  }
  func.func @transform_1(%arg0: i32) -> (i32, i32) {
    %c0_i32 = arith.constant 0 : i32
    %c0_i32_0 = arith.constant 0 : i32
    %c0_i32_1 = arith.constant 0 : i32
    return %c0_i32, %c0_i32_0 : i32, i32
  }
  func.func @transform_2(%arg0: i32) -> (i32, i32) {
    %c0_i32 = arith.constant 0 : i32
    %c0_i32_0 = arith.constant 0 : i32
    %c0_i32_1 = arith.constant 0 : i32
    return %c0_i32, %c0_i32_0 : i32, i32
  }
  func.func @transform_3(%arg0: i32) -> (i32, i32) {
    %c0_i32 = arith.constant 0 : i32
    %c0_i32_0 = arith.constant 0 : i32
    return %arg0, %c0_i32 : i32, i32
  }
  func.func @transform_4(%arg0: i32) -> (i32, i32, i32) {
    %c0_i32 = arith.constant 0 : i32
    %c0_i32_0 = arith.constant 0 : i32
    %c0_i32_1 = arith.constant 0 : i32
    return %c0_i32, %arg0, %c0_i32_0 : i32, i32, i32
  }
}

module attributes {stable_mosaic.version = 14 : i64} {
  func.func @_tc2_body(%arg0: i32, %arg1: memref<2000x64xf32, #tpu.memory_space<vmem>>, %arg2: memref<4x2000x16xf32, #tpu.memory_space<vmem>>, %arg3: memref<64x64xf32, #tpu.memory_space<vmem>>, %arg4: memref<1x64xf32, #tpu.memory_space<vmem>>, %arg5: memref<4x2000x16xf32, #tpu.memory_space<vmem>>) attributes {dimension_semantics = [#tpu.dimension_semantics<arbitrary>], iteration_bounds = array<i64: 50>, scalar_prefetch = 0 : i64, scratch_operands = 0 : i64, tpu.core_type = #tpu.core_type<tc>, window_params = [{transform_indices = @transform_0, window_bounds = array<i64: 2000, 64>}, {transform_indices = @transform_1, window_bounds = array<i64: 4, 2000, 16>}, {pipeline_mode = #tpu.pipeline_mode<synchronous>, transform_indices = @transform_2, window_bounds = array<i64: 64, 64>}, {pipeline_mode = #tpu.pipeline_mode<synchronous>, transform_indices = @transform_3, window_bounds = array<i64: 1, 64>}, {transform_indices = @transform_4, window_bounds = array<i64: 4, 2000, 16>}]} {
    %get3A = arith.constant 0 : index
    %get3A_0 = arith.constant 0 : index
    %get3A_1 = arith.constant 0 : index
    %get3A_2 = vector.load %arg2[%get3A, %get3A_0, %get3A_1] : memref<4x2000x16xf32, #tpu.memory_space<vmem>>, vector<1x2000x16xf32>
    %get3A_3 = vector.shape_cast %get3A_2 : vector<1x2000x16xf32> to vector<2000x16xf32>
    %get3A_4 = arith.constant 1 : index
    %get3A_5 = arith.constant 0 : index
    %get3A_6 = arith.constant 0 : index
    %get3A_7 = vector.load %arg2[%get3A_4, %get3A_5, %get3A_6] : memref<4x2000x16xf32, #tpu.memory_space<vmem>>, vector<1x2000x16xf32>
    %get3A_8 = vector.shape_cast %get3A_7 : vector<1x2000x16xf32> to vector<2000x16xf32>
    %get3A_9 = arith.constant 2 : index
    %get3A_10 = arith.constant 0 : index
    %get3A_11 = arith.constant 0 : index
    %get3A_12 = vector.load %arg2[%get3A_9, %get3A_10, %get3A_11] : memref<4x2000x16xf32, #tpu.memory_space<vmem>>, vector<1x2000x16xf32>
    %get3A_13 = vector.shape_cast %get3A_12 : vector<1x2000x16xf32> to vector<2000x16xf32>
    %get3A_14 = arith.constant 3 : index
    %get3A_15 = arith.constant 0 : index
    %get3A_16 = arith.constant 0 : index
    %get3A_17 = vector.load %arg2[%get3A_14, %get3A_15, %get3A_16] : memref<4x2000x16xf32, #tpu.memory_space<vmem>>, vector<1x2000x16xf32>
    %get3A_18 = vector.shape_cast %get3A_17 : vector<1x2000x16xf32> to vector<2000x16xf32>
    %concatenate3A = tpu.concatenate %get3A_3, %get3A_8, %get3A_13, %get3A_18 in 1 : vector<2000x16xf32>, vector<2000x16xf32>, vector<2000x16xf32>, vector<2000x16xf32> -> vector<2000x64xf32>
    %get3A_19 = arith.constant 0 : index
    %get3A_20 = arith.constant 0 : index
    %get3A_21 = vector.load %arg3[%get3A_19, %get3A_20] : memref<64x64xf32, #tpu.memory_space<vmem>>, vector<64x64xf32>
    %dot_general3A = arith.constant dense<0.000000e+00> : vector<2000x64xf32>
    %dot_general3A_22 = tpu.matmul %concatenate3A, %get3A_21, %dot_general3A {dimension_numbers = #tpu.dot_dimension_numbers<[1], [0], [0], [1], [0, 0, 1, 1], [], []>, transpose_lhs_hint = false} : vector<2000x64xf32>, vector<64x64xf32>, vector<2000x64xf32> -> vector<2000x64xf32>
    %get3A_23 = arith.constant 0 : index
    %get3A_24 = arith.constant 0 : index
    %get3A_25 = vector.load %arg1[%get3A_23, %get3A_24] : memref<2000x64xf32, #tpu.memory_space<vmem>>, vector<2000x64xf32>
    %add3A = arith.addf %get3A_25, %dot_general3A_22 : vector<2000x64xf32>
    %get3A_26 = arith.constant 0 : index
    %get3A_27 = arith.constant 0 : index
    %get3A_28 = vector.load %arg4[%get3A_26, %get3A_27] : memref<1x64xf32, #tpu.memory_space<vmem>>, vector<1x64xf32>
    %add3A_29 = vector.broadcast %get3A_28 : vector<1x64xf32> to vector<2000x64xf32>
    %add3A_30 = arith.addf %add3A, %add3A_29 : vector<2000x64xf32>
    %max3A = arith.constant 0.000000e+00 : f32
    %max3A_31 = vector.broadcast %max3A : f32 to vector<2000x64xf32>
    %max3A_32 = arith.maximumf %add3A_30, %max3A_31 : vector<2000x64xf32>
    %slice3A = vector.extract_strided_slice %max3A_32 {offsets = [0, 0], sizes = [2000, 16], strides = [1, 1]} : vector<2000x64xf32> to vector<2000x16xf32>
    %swap3A = arith.constant 0 : index
    %swap3A_33 = arith.constant 0 : index
    %swap3A_34 = arith.constant 0 : index
    %swap3A_35 = vector.load %arg5[%swap3A, %swap3A_33, %swap3A_34] : memref<4x2000x16xf32, #tpu.memory_space<vmem>>, vector<1x2000x16xf32>
    %swap3A_36 = vector.shape_cast %swap3A_35 : vector<1x2000x16xf32> to vector<2000x16xf32>
    %swap3A_37 = vector.shape_cast %slice3A : vector<2000x16xf32> to vector<1x2000x16xf32>
    tpu.vector_store %arg5[%swap3A, %swap3A_33, %swap3A_34], %swap3A_37 {strides = array<i32>} : memref<4x2000x16xf32, #tpu.memory_space<vmem>>, vector<1x2000x16xf32>,
    %slice3A_38 = vector.extract_strided_slice %max3A_32 {offsets = [0, 16], sizes = [2000, 16], strides = [1, 1]} : vector<2000x64xf32> to vector<2000x16xf32>
    %swap3A_39 = arith.constant 1 : index
    %swap3A_40 = arith.constant 0 : index
    %swap3A_41 = arith.constant 0 : index
    %swap3A_42 = vector.load %arg5[%swap3A_39, %swap3A_40, %swap3A_41] : memref<4x2000x16xf32, #tpu.memory_space<vmem>>, vector<1x2000x16xf32>
    %swap3A_43 = vector.shape_cast %swap3A_42 : vector<1x2000x16xf32> to vector<2000x16xf32>
    %swap3A_44 = vector.shape_cast %slice3A_38 : vector<2000x16xf32> to vector<1x2000x16xf32>
    tpu.vector_store %arg5[%swap3A_39, %swap3A_40, %swap3A_41], %swap3A_44 {strides = array<i32>} : memref<4x2000x16xf32, #tpu.memory_space<vmem>>, vector<1x2000x16xf32>,
    %slice3A_45 = vector.extract_strided_slice %max3A_32 {offsets = [0, 32], sizes = [2000, 16], strides = [1, 1]} : vector<2000x64xf32> to vector<2000x16xf32>
    %swap3A_46 = arith.constant 2 : index
    %swap3A_47 = arith.constant 0 : index
    %swap3A_48 = arith.constant 0 : index
    %swap3A_49 = vector.load %arg5[%swap3A_46, %swap3A_47, %swap3A_48] : memref<4x2000x16xf32, #tpu.memory_space<vmem>>, vector<1x2000x16xf32>
    %swap3A_50 = vector.shape_cast %swap3A_49 : vector<1x2000x16xf32> to vector<2000x16xf32>
    %swap3A_51 = vector.shape_cast %slice3A_45 : vector<2000x16xf32> to vector<1x2000x16xf32>
    tpu.vector_store %arg5[%swap3A_46, %swap3A_47, %swap3A_48], %swap3A_51 {strides = array<i32>} : memref<4x2000x16xf32, #tpu.memory_space<vmem>>, vector<1x2000x16xf32>,
    %slice3A_52 = vector.extract_strided_slice %max3A_32 {offsets = [0, 48], sizes = [2000, 16], strides = [1, 1]} : vector<2000x64xf32> to vector<2000x16xf32>
    %swap3A_53 = arith.constant 3 : index
    %swap3A_54 = arith.constant 0 : index
    %swap3A_55 = arith.constant 0 : index
    %swap3A_56 = vector.load %arg5[%swap3A_53, %swap3A_54, %swap3A_55] : memref<4x2000x16xf32, #tpu.memory_space<vmem>>, vector<1x2000x16xf32>
    %swap3A_57 = vector.shape_cast %swap3A_56 : vector<1x2000x16xf32> to vector<2000x16xf32>
    %swap3A_58 = vector.shape_cast %slice3A_52 : vector<2000x16xf32> to vector<1x2000x16xf32>
    tpu.vector_store %arg5[%swap3A_53, %swap3A_54, %swap3A_55], %swap3A_58 {strides = array<i32>} : memref<4x2000x16xf32, #tpu.memory_space<vmem>>, vector<1x2000x16xf32>,
    return
  }
  func.func @transform_0(%arg0: i32) -> (i32, i32) {
    %c0_i32 = arith.constant 0 : i32
    %c0_i32_0 = arith.constant 0 : i32
    return %arg0, %c0_i32 : i32, i32
  }
  func.func @transform_1(%arg0: i32) -> (i32, i32, i32) {
    %c0_i32 = arith.constant 0 : i32
    %c0_i32_0 = arith.constant 0 : i32
    %c0_i32_1 = arith.constant 0 : i32
    return %c0_i32, %arg0, %c0_i32_0 : i32, i32, i32
  }
  func.func @transform_2(%arg0: i32) -> (i32, i32) {
    %c0_i32 = arith.constant 0 : i32
    %c0_i32_0 = arith.constant 0 : i32
    %c0_i32_1 = arith.constant 0 : i32
    return %c0_i32, %c0_i32_0 : i32, i32
  }
  func.func @transform_3(%arg0: i32) -> (i32, i32) {
    %c0_i32 = arith.constant 0 : i32
    %c0_i32_0 = arith.constant 0 : i32
    %c0_i32_1 = arith.constant 0 : i32
    return %c0_i32, %c0_i32_0 : i32, i32
  }
  func.func @transform_4(%arg0: i32) -> (i32, i32, i32) {
    %c0_i32 = arith.constant 0 : i32
    %c0_i32_0 = arith.constant 0 : i32
    %c0_i32_1 = arith.constant 0 : i32
    return %c0_i32, %arg0, %c0_i32_0 : i32, i32, i32
  }
}

module attributes {stable_mosaic.version = 14 : i64} {
  func.func @_tc3_body(%arg0: i32, %arg1: memref<4x2000x16xf32, #tpu.memory_space<vmem>>, %arg2: memref<64x128xf32, #tpu.memory_space<vmem>>, %arg3: memref<1x128xf32, #tpu.memory_space<vmem>>, %arg4: memref<2000x128xf32, #tpu.memory_space<vmem>>) attributes {dimension_semantics = [#tpu.dimension_semantics<arbitrary>], iteration_bounds = array<i64: 50>, scalar_prefetch = 0 : i64, scratch_operands = 0 : i64, tpu.core_type = #tpu.core_type<tc>, window_params = [{transform_indices = @transform_0, window_bounds = array<i64: 4, 2000, 16>}, {pipeline_mode = #tpu.pipeline_mode<synchronous>, transform_indices = @transform_1, window_bounds = array<i64: 64, 128>}, {pipeline_mode = #tpu.pipeline_mode<synchronous>, transform_indices = @transform_2, window_bounds = array<i64: 1, 128>}, {transform_indices = @transform_3, window_bounds = array<i64: 2000, 128>}]} {
    %get3A = arith.constant 0 : index
    %get3A_0 = arith.constant 0 : index
    %get3A_1 = arith.constant 0 : index
    %get3A_2 = vector.load %arg1[%get3A, %get3A_0, %get3A_1] : memref<4x2000x16xf32, #tpu.memory_space<vmem>>, vector<1x2000x16xf32>
    %get3A_3 = vector.shape_cast %get3A_2 : vector<1x2000x16xf32> to vector<2000x16xf32>
    %get3A_4 = arith.constant 1 : index
    %get3A_5 = arith.constant 0 : index
    %get3A_6 = arith.constant 0 : index
    %get3A_7 = vector.load %arg1[%get3A_4, %get3A_5, %get3A_6] : memref<4x2000x16xf32, #tpu.memory_space<vmem>>, vector<1x2000x16xf32>
    %get3A_8 = vector.shape_cast %get3A_7 : vector<1x2000x16xf32> to vector<2000x16xf32>
    %get3A_9 = arith.constant 2 : index
    %get3A_10 = arith.constant 0 : index
    %get3A_11 = arith.constant 0 : index
    %get3A_12 = vector.load %arg1[%get3A_9, %get3A_10, %get3A_11] : memref<4x2000x16xf32, #tpu.memory_space<vmem>>, vector<1x2000x16xf32>
    %get3A_13 = vector.shape_cast %get3A_12 : vector<1x2000x16xf32> to vector<2000x16xf32>
    %get3A_14 = arith.constant 3 : index
    %get3A_15 = arith.constant 0 : index
    %get3A_16 = arith.constant 0 : index
    %get3A_17 = vector.load %arg1[%get3A_14, %get3A_15, %get3A_16] : memref<4x2000x16xf32, #tpu.memory_space<vmem>>, vector<1x2000x16xf32>
    %get3A_18 = vector.shape_cast %get3A_17 : vector<1x2000x16xf32> to vector<2000x16xf32>
    %concatenate3A = tpu.concatenate %get3A_3, %get3A_8, %get3A_13, %get3A_18 in 1 : vector<2000x16xf32>, vector<2000x16xf32>, vector<2000x16xf32>, vector<2000x16xf32> -> vector<2000x64xf32>
    %get3A_19 = arith.constant 0 : index
    %get3A_20 = arith.constant 0 : index
    %get3A_21 = vector.load %arg2[%get3A_19, %get3A_20] : memref<64x128xf32, #tpu.memory_space<vmem>>, vector<64x128xf32>
    %dot_general3A = arith.constant dense<0.000000e+00> : vector<2000x128xf32>
    %dot_general3A_22 = tpu.matmul %concatenate3A, %get3A_21, %dot_general3A {dimension_numbers = #tpu.dot_dimension_numbers<[1], [0], [0], [1], [0, 0, 1, 1], [], []>, transpose_lhs_hint = false} : vector<2000x64xf32>, vector<64x128xf32>, vector<2000x128xf32> -> vector<2000x128xf32>
    %get3A_23 = arith.constant 0 : index
    %get3A_24 = arith.constant 0 : index
    %get3A_25 = vector.load %arg3[%get3A_23, %get3A_24] : memref<1x128xf32, #tpu.memory_space<vmem>>, vector<1x128xf32>
    %add3A = vector.broadcast %get3A_25 : vector<1x128xf32> to vector<2000x128xf32>
    %add3A_26 = arith.addf %dot_general3A_22, %add3A : vector<2000x128xf32>
    %swap3A = arith.constant 0 : index
    %swap3A_27 = arith.constant 0 : index
    %swap3A_28 = vector.load %arg4[%swap3A, %swap3A_27] : memref<2000x128xf32, #tpu.memory_space<vmem>>, vector<2000x128xf32>
    tpu.vector_store %arg4[%swap3A, %swap3A_27], %add3A_26 {strides = array<i32>} : memref<2000x128xf32, #tpu.memory_space<vmem>>, vector<2000x128xf32>,
    return
  }
  func.func @transform_0(%arg0: i32) -> (i32, i32, i32) {
    %c0_i32 = arith.constant 0 : i32
    %c0_i32_0 = arith.constant 0 : i32
    %c0_i32_1 = arith.constant 0 : i32
    return %c0_i32, %arg0, %c0_i32_0 : i32, i32, i32
  }
  func.func @transform_1(%arg0: i32) -> (i32, i32) {
    %c0_i32 = arith.constant 0 : i32
    %c0_i32_0 = arith.constant 0 : i32
    %c0_i32_1 = arith.constant 0 : i32
    return %c0_i32, %c0_i32_0 : i32, i32
  }
  func.func @transform_2(%arg0: i32) -> (i32, i32) {
    %c0_i32 = arith.constant 0 : i32
    %c0_i32_0 = arith.constant 0 : i32
    %c0_i32_1 = arith.constant 0 : i32
    return %c0_i32, %c0_i32_0 : i32, i32
  }
  func.func @transform_3(%arg0: i32) -> (i32, i32) {
    %c0_i32 = arith.constant 0 : i32
    %c0_i32_0 = arith.constant 0 : i32
    return %arg0, %c0_i32 : i32, i32
  }
}

</mosaic_0001>

<sc_bundles>
// kernel: closed_call.11.cloned.1.call-start
scs
__scs_entry_jumppad:
0x0: {  	(pc) =	sbr.rel $0x88, $3  }
0x1: {  	(tag) =	ssettag $0x0;
	lr =	simm.s32 $0x1  }
0x2: {  	[smem:$0x3F99] =	sst lr;
	_ =	strace $0xD0000000  }
0x3: {  	_ = 	snop  }
0x4: {  	_ = 	snop  }
0x5: {  	_ = 	snop  }
0x6: {  	_ = 	snop  }
0x7: {  	_ = 	snop  }
__scs_overlays_trampoline_lowered:
0x8: {  	[smem:$0x3FA8] =	sst s0  }
0x9: {  	[smem:$0x3FA9] =	sst s1  }
0xa: {  	[smem:$0x3FAA] =	sst s2  }
0xb: {  	[smem:$0x3FAB] =	sst s3  }
0xc: {  	[smem:$0x3FAC] =	sst s4  }
0xd: {  	[smem:$0x3FAD] =	sst s5  }
0xe: {  	[smem:$0x3FAE] =	sst s6  }
0xf: {  	[smem:$0x3FAF] =	sst s7  }
0x10: {  	[smem:$0x3FB0] =	sst s8  }
0x11: {  	[smem:$0x3FB1] =	sst s9;
	s0 =	simm.s32 @!p0 $0x0  }
0x12: {  	s1 =	sld [smem:$0x3F97];
	s0 =	simm.s32 @p0 $0x1  }
0x13: {  	[smem:$0x3FB2] =	sst s0;
	s0 =	simm.s32 @!p1 $0x0  }
0x14: {  	s2 =	sld [smem:$0x3F96];
	s0 =	simm.s32 @p1 $0x1  }
0x15: {  	[smem:$0x3FB3] =	sst s0;
	s0 =	simm.s32 @!p2 $0x0  }
0x16: {  	s3 =	sld [smem:$0x3FDB];
	s0 =	simm.s32 @p2 $0x1  }
0x17: {  	s4 =	simm.s32 $0x1BF5;
	[smem:$0x3FB5] =	sst s0  }
0x18: {  	s0 =	sld [smem:$0x3F98];
	_ =	swait.ge [sflag:s4], $0x0  }
0x19: {  	s7 =	sld [smem:$0x3F99]  }
0x1a: {  	s8 =	sadd.s32 $0xFFFFE003, lr  }
0x1b: {  	s9 =	sadd.s32 $0xFFFFFEF7, lr;
	s5 =	simm.s32 $0xFFFFFFFF;
	p2 =	slt.u32 s8, $0xFFFFF086  }
0x1c: {  	p1 =	slt.u32 s9, $0xF7A;
	s5 =	simm.s32 @!p2 $0x0  }
0x1d: {  	s5 =	simm.s32 @p1 $0x1;
	p0 =	seq.s32 s7, s2  }
0x1e: {  	s7 =	smul.u32 @!p0 $0xF7A, s2;
	p2 =	seq.s32 @!p0 s5, $0x0  }
0x1f: {  	s9 =	smul.u32 $0xF7A, s1;
	s8 =	simm.s32 @!p0 $0x1BF5;
	p2 =	por !p2, p0  }
0x20: {  	[sflag:s8] =	ssyncset.s32 @!p0 $0xFFFFF086;
	s6 =	sadd.s32 @!p0 s3, s7;
	s7 =	simm.s32 @!p0 $0x108  }
0x21: {  	s3 =	sadd.s32 s3, s9;
	s6 =	sadd.s32 @!p0 $0x88, s6;
	s7 =	simm.s32 @p2 $0x1082  }
0x22: {  	[simem:s7], [sflag:s8] =	dma.local @!p0 [hbm:s6], $0xF7A  }
0x23: {  	s9 =	sor.u32 $0xD0000000, s2;
	s6 =	simm.s32 $0x108;
	_ =	swait.ge @!p0 [sflag:s8], $0x0  }
0x24: {  	s3 =	sadd.s32 $0x88, s3;
	s6 =	simm.s32 @!p1 $0x1082;
	[sflag:s4] =	ssyncset.s32 $0xFFFFF086  }
0x25: {  	[simem:s6], [sflag:s4] =	dma.local [hbm:s3], $0xF7A  }
0x26: {  	[smem:$0x3F99] =	sst s1;
	(tag) =	ssettag s2;
	_ =	strace s9  }
0x27: {  	s1 =	sld [smem:$0x3FA9]  }
0x28: {  	s2 =	sld [smem:$0x3FAA]  }
0x29: {  	s4 =	sld [smem:$0x3FAC]  }
0x2a: {  	p0 =	seq.s32 s5, $0x0;
	s5 =	sld [smem:$0x3FAD]  }
0x2b: {  	s6 =	sld [smem:$0x3FAE]  }
0x2c: {  	s7 =	sld [smem:$0x3FAF]  }
0x2d: {  	s3 =	simm.s32 $0x108;
	s8 =	sld [smem:$0x3FB0]  }
0x2e: {  	s3 =	simm.s32 @!p0 $0x1082;
	s9 =	sld [smem:$0x3FB1]  }
0x2f: {  	lr =	sadd.s32 s0, s3;
	s0 =	sld [smem:$0x3FA8]  }
0x30: {  	s3 =	sld [smem:$0x3FAB]  }
0x31: {  	[smem:$0x3FB4] =	sst s10  }
0x32: {  	s10 =	sld [smem:$0x3FB2];
	_ =	sdelay $0x3  }
0x33: {  	p0 =	seq.s32 s10, $0x1;
	s10 =	sld [smem:$0x3FB4];
	_ =	sdelay $0x3  }
0x34: {  	[smem:$0x3FB4] =	sst s10  }
0x35: {  	s10 =	sld [smem:$0x3FB3];
	_ =	sdelay $0x3  }
0x36: {  	p1 =	seq.s32 s10, $0x1;
	s10 =	sld [smem:$0x3FB4];
	_ =	sdelay $0x3  }
0x37: {  	[smem:$0x3FB4] =	sst s10  }
0x38: {  	s10 =	sld [smem:$0x3FB5]  }
0x39: {  	_ = 	snop;
	(pc) =	sbr.ind lr, $3  }
0x3a: {  	_ = 	snop  }
0x3b: {  	_ = 	snop  }
0x3c: {  	p2 =	seq.s32 s10, $0x1;
	s10 =	sld [smem:$0x3FB4]  }
0x3d: {  	_ =	shalt  }
0x3e: {  	_ =	shalt  }
0x3f: {  	_ =	shalt  }
0x40: {  	_ =	shalt  }
0x41: {  	_ =	shalt  }
0x42: {  	_ =	shalt  }
0x43: {  	_ =	shalt  }
0x44: {  	_ =	shalt  }
0x45: {  	_ =	shalt  }
0x46: {  	_ =	shalt  }
0x47: {  	_ =	shalt  }
0x48: {  	_ =	shalt  }
0x49: {  	_ =	shalt  }
0x4a: {  	_ =	shalt  }
0x4b: {  	_ =	shalt  }
0x4c: {  	_ =	shalt  }
0x4d: {  	_ =	shalt  }
0x4e: {  	_ =	shalt  }
0x4f: {  	_ =	shalt  }
0x50: {  	_ =	shalt  }
0x51: {  	_ =	shalt  }
0x52: {  	_ =	shalt  }
0x53: {  	_ =	shalt  }
0x54: {  	_ =	shalt  }
0x55: {  	_ =	shalt  }
0x56: {  	_ =	shalt  }
0x57: {  	_ =	shalt  }
0x58: {  	_ =	shalt  }
0x59: {  	_ =	shalt  }
0x5a: {  	_ =	shalt  }
0x5b: {  	_ =	shalt  }
0x5c: {  	_ =	shalt  }
0x5d: {  	_ =	shalt  }
0x5e: {  	_ =	shalt  }
0x5f: {  	_ =	shalt  }
0x60: {  	_ =	shalt  }
0x61: {  	_ =	shalt  }
0x62: {  	_ =	shalt  }
0x63: {  	_ =	shalt  }
0x64: {  	_ =	shalt  }
0x65: {  	_ =	shalt  }
0x66: {  	_ =	shalt  }
0x67: {  	_ =	shalt  }
0x68: {  	_ =	shalt  }
0x69: {  	_ =	shalt  }
0x6a: {  	_ =	shalt  }
0x6b: {  	_ =	shalt  }
0x6c: {  	_ =	shalt  }
0x6d: {  	_ =	shalt  }
0x6e: {  	_ =	shalt  }
0x6f: {  	_ =	shalt  }
0x70: {  	_ =	shalt  }
0x71: {  	_ =	shalt  }
0x72: {  	_ =	shalt  }
0x73: {  	_ =	shalt  }
0x74: {  	_ =	shalt  }
0x75: {  	_ =	shalt  }
0x76: {  	_ =	shalt  }
0x77: {  	_ =	shalt  }
0x78: {  	_ =	shalt  }
0x79: {  	_ =	shalt  }
0x7a: {  	_ =	shalt  }
0x7b: {  	_ =	shalt  }
0x7c: {  	_ =	shalt  }
0x7d: {  	_ =	shalt  }
0x7e: {  	_ =	shalt  }
0x7f: {  	_ =	shalt  }
0x80: {  	_ =	shalt  }
0x81: {  	_ =	shalt  }
0x82: {  	_ =	shalt  }
0x83: {  	_ =	shalt  }
0x84: {  	_ =	shalt  }
0x85: {  	_ =	shalt  }
0x86: {  	_ =	shalt  }
0x87: {  	_ =	shalt  }
.Lfunc_end0:
.L_simem_size_0:
called_computation_lowered:
.L_overlay_start_0:
0x88: {  	s2 =	sld [smem:$0x3FD9]  }
0x89: {  	s3 =	sld [smem:$0x3FFE];
	_ =	sdelay $0x1  }
0x8a: {  	s1 =	srdreg.scid  }
0x8b: {  	s0 =	sand.u32 $0x1, s1  }
0x8c: {  	s16 =	sshll.u32 s0, $0xA;
	s2 =	sadd.s32 s3, s2  }
0x8d: {  	s2 =	sadd.s32 s2, s16  }
0x8e: {  	[smem:$0x3FC0] =	sst s2  }
0x8f: {  	_ = 	snop  }
0x90: {  	(tm) =	ssettm $0x1  }
0x91: {  	s17 =	sld [smem:$0x3FFB];
	_ =	sdelay $0x3  }
0x92: {  	_ =	strace s17  }
0x93: {  	s2 =	sld [smem:$0x3FFC];
	_ =	sdelay $0x3  }
0x94: {  	_ =	strace s2  }
0x95: {  	s2 =	sld [smem:$0x3FFD];
	_ =	sdelay $0x3  }
0x96: {  	_ =	strace s2  }
0x97: {  	_ =	strace $0x8FFFFFFF  }
0x98: {  	s18 =	sld [smem:$0x3FDB];
	_ =	sdelay $0x1  }
0x99: {  	s19 =	simm.s32 $_scs_section_size  }
0x9a: {  	s4 =	simm.s32 $_size__tile_overlayer_lowered;
	s5 =	simm.s32 $_tile_overlayer_lowered  }
0x9b: {  	s22 =	simm.s32 $0x1BFF;
	s21 =	sshll.u32 s5, $0x1;
	s2 =	sadd.s32 s19, s18  }
0x9c: {  	s6 =	simm.s32 $0x0;
	s20 =	sshll.u32 s4, $0x1;
	s4 =	sadd.s32 s21, s2  }
0x9d: {  	[timem:s6], [sflag:s22] =	dma.local [hbm:s4], s20  }
0x9e: {  	_ =	swait.ge [sflag:s22], s20  }
0x9f: {  	s3 =	ssub.s32 $0x0, s20;
	[sflag:s22] =	ssyncset.done $0x0  }
0xa0: {  	[sflag:s22] =	ssyncadd.s32 s3;
	_ =	sdelay $0x1  }
0xa1: {  	s23 =	simm.s32 $0x1B8B  }
0xa2: {  	_ =	swait.ge [sflag:s23], $0x1  }
0xa3: {  	[sflag:s23] =	ssyncset.done $0x0  }
0xa4: {  	s25 =	simm.s32 $0x1B8E;
	s24 =	sld [smem:$0x3FFE];
	[sflag:s23] =	ssyncadd.s32 $0xFFFFFFFF  }
0xa5: {  	s26 =	simm.s32 $execute0_lowered;
	[smem:$0x3FD2] =	sst s25  }
0xa6: {  	s4 =	sshll.u32 s26, $0x1;
	_ =	strace $0x80000049;
	[dreg:$0x1] =	wrdreg $0xFFFFFFFF  }
0xa7: {  	s28 =	simm.s32 $_size_execute0_lowered;
	s2 =	sadd.s32 s2, s4;
	[dreg:$0x0] =	wrdreg $0x0  }
0xa8: {  	s4 =	sshll.u32 s28, $0x1;
	[dreg:$0x2] =	wrdreg s2  }
0xa9: {  	[dreg:$0x3] =	wrdreg s4  }
0xaa: {  	[dreg:$0x4] =	wrdreg $0xC0  }
0xab: {  	_ =	task [dreg:s6], $0x5FFFF  }
0xac: {  	[dreg:$0x1] =	wrdreg $0xFFFFFFFF  }
0xad: {  	[dreg:$0x0] =	wrdreg $0x60  }
0xae: {  	[dreg:$0x2] =	wrdreg s24  }
0xaf: {  	[dreg:$0x3] =	wrdreg $0x70800  }
0xb0: {  	[dreg:$0x4] =	wrdreg $0x9  }
0xb1: {  	_ =	task.clear_ibuf [dreg:s6], $0x5FFFF;
	_ =	strace $0x90000049  }
0xb2: {  	s29 =	simm.s32 $0x9;
	_ =	strace $0x8000004B  }
0xb3: {  	_ =	swait.ge [sflag:s29], $0x1  }
0xb4: {  	[sflag:s29] =	ssyncadd.s32 $0xFFFFFFFF  }
0xb5: {  	_ =	strace $0x9000004B  }
0xb6: {  	_ =	sfence  }
0xb7: {  	s30 =	sld [smem:$0x0];
	_ =	sdelay $0x2  }
0xb8: {  	s31 =	sshll.u32 s1, $0xD;
	s1 =	sshrl.u32 s1, $0x2  }
0xb9: {  	s3 =	sand.u32 $0x4000, s31;
	s1 =	sadd.s32 s1, s30  }
0xba: {  	s0 =	sor.u32 s3, s0;
	s1 =	sshll.u32 s1, $0x11  }
0xbb: {  	s0 =	sor.u32 s1, s0  }
0xbc: {  	s0 =	sadd.s32 $0x8F2B, s0  }
0xbd: {  	[sflag:s0] =	ssyncadd.remote.s32 $0x1  }
0xbe: {  	_ =	sfence.sel $0xFFFF  }
0xbf: {  	[dreg:$0x0] =	wrdreg $0xFFFFFFFF;
	(pc) =	sbr.abs _section_cstart, $3  }
0xc0: {  	[dreg:$0x1] =	wrdreg $0xFFFFFFFF  }
0xc1: {  	_ =	task.clear_ibuf [dreg:s6], $0x2FFFF;
	_ =	strace $0x9FFFFFFF  }
0xc2: {  	(tm) =	ssettm $0x7FFFFFFF  }
0xc3: {  	_ =	shalt  }
tec
execute0_lowered:
.L_overlay_start_1:
0x0: {  	(tag) =	ssettag $0x1  }
0x1: {  	s0 =	rddreg [dreg:$0x0]  }
0x2: {  	s2 =	rddreg [dreg:$0x1]  }
0x3: {  	s3 =	simm.s32 $0x0;
	s1 =	stileid.u32;
	s4 =	srdreg.scid  }
0x4: {  	s19 =	simm.s32 $0x3;
	s20 =	simm.s32 $0x640;
	s21 =	simm.s32 $0x320  }
0x5: {  	s22 =	simm.s32 $0xC80;
	s23 =	simm.s32 $0x1;
	s24 =	simm.s32 $0x2  }
0x6: {  	s25 =	simm.s32 $0x0;
	[smem:$0x7FF] =	sst s3;
	s5 =	smul.u32 $0x18700, s1  }
0x7: {  	s15 =	sadd.s32 $0x31800, s0;
	s16 =	sadd.s32 $0xA00, s0;
	s8 =	sand.u32 $0x1, s4  }
0x8: {  	s13 =	sadd.s32 $0x68C00, s0;
	s26 =	smul.u32 $0x186A0, s1;
	s28 =	sshll.u32 s1, $0x6  }
0x9: {  	s18 =	smul.u32 $0x30D4, s1;
	s29 =	sadd.s32 $0x16E900, s2;
	p0 =	seq.s32 s1, $0xF  }
0xa: {  	_ =	strace $0x8000004A;
	s6 =	ssub.s32 $0x2, s8;
	s10 =	smul.u32 $0x186A00, s8  }
0xb: {  	s11 =	smul.u32 $0x30D40, s8;
	[dreg:$0x4] =	wrdreg s29;
	s4 =	sshrl.u32 s5, $0x3  }
0xc: {  	s9 =	sshrl.u32 s6, $0x1;
	s5 =	sadd.s32 s5, s2;
	s30 =	sadd.s32 s18, s16  }
0xd: {  	s18 =	sadd.s32 s18, s15;
	s7 =	sadd.s32 s4, s0;
	s0 =	sadd.s32 $0x15D000, s0  }
0xe: {  	s17 =	ssub.s32 s6, s9;
	s9 =	sshrl.u32 s26, $0x3;
	s12 =	sshrl.u32 s10, $0x3  }
0xf: {  	s10 =	sadd.s32 s13, s11;
	[dreg:$0x3] =	wrdreg s5;
	s6 =	sadd.s32 $0x12C200, s7  }
0x10: {  	s7 =	sor.u32 $0x1C03, s28;
	s8 =	sadd.s32 s15, s9;
	s9 =	sadd.s32 s16, s9  }
0x11: {  	s14 =	sadd.s32 $0x61A80, s12;
	s11 =	sadd.s32 s0, s11;
	s31 =	smax.u32 s17, $0x1  }
0x12: {  	s16 =	sadd.s32 $0x64, s30;
	s17 =	sadd.s32 $0x64, s18;
	s18 =	sshrl.u32 s5, $0x3  }
0x13: {  	s13 =	sadd.s32 s13, s14;
	s14 =	sadd.s32 s0, s14;
	[dreg:$0x5] =	wrdreg s31  }
.LBB2_1:
0x14: {  	[spmem:s18], [sflag:s7] =	dma.local [hbm:s6], $0x30E0  }
0x15: {  	_ =	swait.ge [sflag:s19], $0x30E0  }
0x16: {  	[sflag:s19] =	ssyncset.done $0x0  }
0x17: {  	[sflag:s19] =	ssyncadd.s32 $0xFFFFCF20  }
0x18: {  	[bflag:$0x0] =	sbarrier.arrive $0xFFFF  }
0x19: {  	[tilespmem:s3], [sflag:$0x3] =	stream.linear.gather [hbm4b:s8+s3], $0x320, $0x38;
	[tilespmem:$0x1F780] =	vst v63  }
0x1a: {  	_ =	swait.ge [sflag:s19], $0x320  }
0x1b: {  	[sflag:s19] =	ssyncset.done $0x0  }
0x1c: {  	[sflag:s19] =	ssyncadd.s32 $0xFFFFFCE0  }
0x1d: {  	[tilespmem:s20], [sflag:$0x3] =	stream.linear.gather [hbm4b:s9+s3], $0x320, $0x38;
	[tilespmem:$0x1F780] =	vst v63  }
0x1e: {  	_ =	swait.ge [sflag:s19], $0x320  }
0x1f: {  	s26 =	smov.u32 s17;
	[sflag:s19] =	ssyncset.done $0x0  }
0x20: {  	s28 =	smov.u32 s16;
	s29 =	simm.s32 $0x0;
	[sflag:s19] =	ssyncadd.s32 $0xFFFFFCE0  }
0x21: {  	[tilespmem:s22], [sflag:$0x1] =	stream.indirect.gather [hbm4b:s10+s21], $0x10, s3, s21, $0xb8;
	[tilespmem:$0x1F780] =	vst v63  }
.LBB2_2:
0x22: {  	s30 =	sand.u32 $0x1, s29  }
0x23: {  	p1 =	seq.s32 s30, $0x1  }
0x24: {  	s0 =	simm.s32 @!p1 $0x0;
	s31 =	simm.s32 @!p1 $0x320;
	s1 =	simm.s32 @!p1 $0x3  }
0x25: {  	[tilespmem:s31], [sflag:$0x3] =	stream.linear.gather @!p1 [hbm4b:s26+s0], $0x320, $0x38;
	[tilespmem:$0x1F780] =	vst v63  }
0x26: {  	_ =	swait.ge @!p1 [sflag:s1], $0x320  }
0x27: {  	[sflag:s1] =	ssyncset.done @!p1 $0x0  }
0x28: {  	s5 =	simm.s32 @!p1 $0x960;
	[sflag:s1] =	ssyncadd.s32 @!p1 $0xFFFFFCE0  }
0x29: {  	[tilespmem:s5], [sflag:$0x3] =	stream.linear.gather @!p1 [hbm4b:s28+s0], $0x320, $0x38;
	[tilespmem:$0x1F780] =	vst v63  }
0x2a: {  	_ =	swait.ge @!p1 [sflag:s1], $0x320  }
0x2b: {  	[sflag:s1] =	ssyncset.done @!p1 $0x0  }
0x2c: {  	s0 =	simm.s32 @!p1 $0x3E80;
	[sflag:s1] =	ssyncadd.s32 @!p1 $0xFFFFFCE0  }
0x2d: {  	[tilespmem:s0], [sflag:$0x2] =	stream.indirect.gather @!p1 [hbm4b:s10+s31], $0x10, s31, s31, $0xb8;
	[tilespmem:$0x1F780] =	vst v63  }
0x2e: {  	s0 =	simm.s32 @!p1 $0x1  }
0x2f: {  	_ =	swait.ge @!p1 [sflag:s0], $0x3200  }
0x30: {  	p2 =	seq.s32 @!p1 s30, $0x0;
	[sflag:s0] =	ssyncset.done @!p1 $0x0  }
0x31: {  	p2 =	por p1, !p2;
	[sflag:s0] =	ssyncadd.s32 @!p1 $0xFFFFCE00  }
0x32: {  	[tilespmem:s3], [sflag:$0x3] =	stream.linear.gather @p2 [hbm4b:s26+s3], $0x320, $0x38;
	[tilespmem:$0x1F780] =	vst v63  }
0x33: {  	_ =	swait.ge @p2 [sflag:s19], $0x320  }
0x34: {  	[sflag:s19] =	ssyncset.done @p2 $0x0  }
0x35: {  	[sflag:s19] =	ssyncadd.s32 @p2 $0xFFFFFCE0  }
0x36: {  	[tilespmem:s20], [sflag:$0x3] =	stream.linear.gather @p2 [hbm4b:s28+s3], $0x320, $0x38;
	[tilespmem:$0x1F780] =	vst v63  }
0x37: {  	_ =	swait.ge @p2 [sflag:s19], $0x320  }
0x38: {  	s15 =	smul.u32 $0xC800, s30;
	[sflag:s19] =	ssyncset.done @p2 $0x0  }
0x39: {  	s29 =	sadd.s32 $0x1, s29;
	s31 =	smul.u32 $0xC80, s30;
	[sflag:s19] =	ssyncadd.s32 @p2 $0xFFFFFCE0  }
0x3a: {  	[tilespmem:s22], [sflag:$0x1] =	stream.indirect.gather @p2 [hbm4b:s10+s21], $0x10, s3, s21, $0xb8;
	[tilespmem:$0x1F780] =	vst v63  }
0x3b: {  	s1 =	sshrl.u32 s31, $0x2;
	s0 =	sshrl.u32 s15, $0x2;
	_ =	swait.ge @p2 [sflag:s24], $0x3200  }
0x3c: {  	s1 =	sadd.s32 $0x640, s1;
	p1 =	sne.s32 s29, $0x7C;
	[sflag:s24] =	ssyncset.done @p2 $0x0  }
.Ltmp0:
0x3d: {  	s0 =	sadd.s32 $0xC80, s0;
	[sflag:s24] =	ssyncadd.s32 @p2 $0xFFFFCE00;
	(pc) =	sbr.rel @p1 .LBB2_2-.Ltmp0, $4  }
0x3e: {  	[spmem:s2] =	stream.indirect.scatter.add.f32 [tilespmem:s0], [sflag:$0x3], $0x10, s1, s21, $0xb8;
	[tilespmem:$0x1F780] =	vst v63  }
0x3f: {  	_ =	swait.ge [sflag:s19], $0x3200  }
0x40: {  	[sflag:s19] =	ssyncset.done $0x0  }
0x41: {  	s26 =	sadd.s32 $0x64, s26;
	s28 =	sadd.s32 $0x64, s28;
	[sflag:s19] =	ssyncadd.s32 $0xFFFFCE00  }
0x42: {  	_ =	swait.ge [sflag:s23], $0x3200  }
0x43: {  	[sflag:s23] =	ssyncset.done $0x0  }
0x44: {  	[sflag:s23] =	ssyncadd.s32 $0xFFFFCE00  }
0x45: {  	[spmem:s2] =	stream.indirect.scatter.add.f32 [tilespmem:s22], [sflag:$0x3], $0x10, s20, s21, $0xb8;
	[tilespmem:$0x1F780] =	vst v63  }
0x46: {  	_ =	swait.ge [sflag:s19], $0x3200  }
0x47: {  	[sflag:s19] =	ssyncset.done $0x0  }
0x48: {  	[sflag:s19] =	ssyncadd.s32 $0xFFFFCE00  }
0x49: {  	[bflag:$0x0] =	sbarrier.arrive $0xFFFF  }
0x4a: {  	s1 =	rddreg [dreg:$0x4]  }
0x4b: {  	s0 =	sadd.s32 @p0 $0x2DD20, s11;
	s26 =	sshrl.u32 @p0 s1, $0x3  }
0x4c: {  	[hbm:s0], [sflag:s7] =	dma.local @p0 [spmem:s26], $0x3020  }
0x4d: {  	s0 =	simm.s32 @p0 $0x3  }
0x4e: {  	_ =	swait.ge @p0 [sflag:s0], $0x3020  }
0x4f: {  	[sflag:s0] =	ssyncset.done @p0 $0x0;
	s1 =	rddreg [dreg:$0x3]  }
0x50: {  	[sflag:s0] =	ssyncadd.s32 @p0 $0xFFFFCFE0;
	s0 =	sadd.s32 @!p0 s4, s11;
	s28 =	sshrl.u32 @!p0 s1, $0x3  }
0x51: {  	[hbm:s0], [sflag:s7] =	dma.local @!p0 [spmem:s28], $0x30E0  }
0x52: {  	s0 =	simm.s32 @!p0 $0x3  }
0x53: {  	_ =	swait.ge @!p0 [sflag:s0], $0x30E0  }
0x54: {  	[sflag:s0] =	ssyncset.done @!p0 $0x0  }
0x55: {  	[sflag:s0] =	ssyncadd.s32 @!p0 $0xFFFFCF20  }
0x56: {  	[bflag:$0x0] =	sbarrier.arrive $0xFFFF  }
0x57: {  	[spmem:s18], [sflag:s7] =	dma.local [hbm:s6], $0x30E0  }
0x58: {  	_ =	swait.ge [sflag:s19], $0x30E0  }
0x59: {  	[sflag:s19] =	ssyncset.done $0x0  }
0x5a: {  	[sflag:s19] =	ssyncadd.s32 $0xFFFFCF20  }
0x5b: {  	s29 =	simm.s32 $0x0;
	[bflag:$0x0] =	sbarrier.arrive $0xFFFF  }
0x5c: {  	[tilespmem:s29], [sflag:$0x3] =	stream.linear.gather [hbm4b:s8+s29], $0x320, $0x38;
	[tilespmem:$0x1F780] =	vst v63  }
0x5d: {  	_ =	swait.ge [sflag:s19], $0x320  }
0x5e: {  	[sflag:s19] =	ssyncset.done $0x0  }
0x5f: {  	[sflag:s19] =	ssyncadd.s32 $0xFFFFFCE0  }
0x60: {  	[tilespmem:s20], [sflag:$0x3] =	stream.linear.gather [hbm4b:s9+s29], $0x320, $0x38;
	[tilespmem:$0x1F780] =	vst v63  }
0x61: {  	_ =	swait.ge [sflag:s19], $0x320  }
0x62: {  	[sflag:s19] =	ssyncset.done $0x0  }
0x63: {  	s30 =	smov.u32 s17;
	s31 =	smov.u32 s16;
	[sflag:s19] =	ssyncadd.s32 $0xFFFFFCE0  }
0x64: {  	[tilespmem:s22], [sflag:$0x1] =	stream.indirect.gather [hbm4b:s13+s21], $0x10, s29, s21, $0xb8;
	[tilespmem:$0x1F780] =	vst v63  }
.LBB2_4:
0x65: {  	s0 =	sand.u32 $0x1, s29  }
0x66: {  	p1 =	seq.s32 s0, $0x1  }
0x67: {  	s1 =	simm.s32 @!p1 $0x0;
	s5 =	simm.s32 @!p1 $0x320;
	s12 =	simm.s32 @!p1 $0x3  }
0x68: {  	[tilespmem:s5], [sflag:$0x3] =	stream.linear.gather @!p1 [hbm4b:s30+s1], $0x320, $0x38;
	[tilespmem:$0x1F780] =	vst v63  }
0x69: {  	_ =	swait.ge @!p1 [sflag:s12], $0x320  }
0x6a: {  	[sflag:s12] =	ssyncset.done @!p1 $0x0  }
0x6b: {  	s15 =	simm.s32 @!p1 $0x960;
	[sflag:s12] =	ssyncadd.s32 @!p1 $0xFFFFFCE0  }
0x6c: {  	[tilespmem:s15], [sflag:$0x3] =	stream.linear.gather @!p1 [hbm4b:s31+s1], $0x320, $0x38;
	[tilespmem:$0x1F780] =	vst v63  }
0x6d: {  	_ =	swait.ge @!p1 [sflag:s12], $0x320  }
0x6e: {  	[sflag:s12] =	ssyncset.done @!p1 $0x0  }
0x6f: {  	s1 =	simm.s32 @!p1 $0x3E80;
	[sflag:s12] =	ssyncadd.s32 @!p1 $0xFFFFFCE0  }
0x70: {  	[tilespmem:s1], [sflag:$0x2] =	stream.indirect.gather @!p1 [hbm4b:s13+s5], $0x10, s5, s5, $0xb8;
	[tilespmem:$0x1F780] =	vst v63  }
0x71: {  	s1 =	simm.s32 @!p1 $0x1  }
0x72: {  	_ =	swait.ge @!p1 [sflag:s1], $0x3200  }
0x73: {  	p2 =	seq.s32 @!p1 s0, $0x0;
	[sflag:s1] =	ssyncset.done @!p1 $0x0  }
0x74: {  	p2 =	por p1, !p2;
	[sflag:s1] =	ssyncadd.s32 @!p1 $0xFFFFCE00  }
0x75: {  	[tilespmem:s3], [sflag:$0x3] =	stream.linear.gather @p2 [hbm4b:s30+s3], $0x320, $0x38;
	[tilespmem:$0x1F780] =	vst v63  }
0x76: {  	_ =	swait.ge @p2 [sflag:s19], $0x320  }
0x77: {  	[sflag:s19] =	ssyncset.done @p2 $0x0  }
0x78: {  	s15 =	smul.u32 $0xC800, s0;
	[sflag:s19] =	ssyncadd.s32 @p2 $0xFFFFFCE0  }
0x79: {  	[tilespmem:s20], [sflag:$0x3] =	stream.linear.gather @p2 [hbm4b:s31+s3], $0x320, $0x38;
	[tilespmem:$0x1F780] =	vst v63  }
0x7a: {  	s0 =	smul.u32 $0xC80, s0;
	_ =	swait.ge @p2 [sflag:s19], $0x320  }
0x7b: {  	[sflag:s19] =	ssyncset.done @p2 $0x0  }
0x7c: {  	s0 =	sshrl.u32 s0, $0x2;
	[sflag:s19] =	ssyncadd.s32 @p2 $0xFFFFFCE0  }
0x7d: {  	[tilespmem:s22], [sflag:$0x1] =	stream.indirect.gather @p2 [hbm4b:s13+s21], $0x10, s3, s21, $0xb8;
	[tilespmem:$0x1F780] =	vst v63  }
0x7e: {  	s29 =	sadd.s32 $0x1, s29;
	s0 =	sadd.s32 $0x640, s0;
	_ =	swait.ge @p2 [sflag:s24], $0x3200  }
0x7f: {  	s1 =	sshrl.u32 s15, $0x2;
	p1 =	sne.s32 s29, $0x7C;
	[sflag:s24] =	ssyncset.done @p2 $0x0  }
.Ltmp1:
0x80: {  	s1 =	sadd.s32 $0xC80, s1;
	[sflag:s24] =	ssyncadd.s32 @p2 $0xFFFFCE00;
	(pc) =	sbr.rel @p1 .LBB2_4-.Ltmp1, $4  }
0x81: {  	[spmem:s2] =	stream.indirect.scatter.add.f32 [tilespmem:s1], [sflag:$0x3], $0x10, s0, s21, $0xb8;
	[tilespmem:$0x1F780] =	vst v63  }
0x82: {  	_ =	swait.ge [sflag:s19], $0x3200  }
0x83: {  	[sflag:s19] =	ssyncset.done $0x0  }
0x84: {  	s30 =	sadd.s32 $0x64, s30;
	s31 =	sadd.s32 $0x64, s31;
	[sflag:s19] =	ssyncadd.s32 $0xFFFFCE00  }
0x85: {  	_ =	swait.ge [sflag:s23], $0x3200  }
0x86: {  	[sflag:s23] =	ssyncset.done $0x0  }
0x87: {  	[sflag:s23] =	ssyncadd.s32 $0xFFFFCE00  }
0x88: {  	[spmem:s2] =	stream.indirect.scatter.add.f32 [tilespmem:s22], [sflag:$0x3], $0x10, s20, s21, $0xb8;
	[tilespmem:$0x1F780] =	vst v63  }
0x89: {  	_ =	swait.ge [sflag:s19], $0x3200  }
0x8a: {  	[sflag:s19] =	ssyncset.done $0x0  }
0x8b: {  	[sflag:s19] =	ssyncadd.s32 $0xFFFFCE00  }
0x8c: {  	s0 =	sadd.s32 @p0 $0x2DD20, s14;
	[bflag:$0x0] =	sbarrier.arrive $0xFFFF  }
0x8d: {  	[hbm:s0], [sflag:s7] =	dma.local @p0 [spmem:s26], $0x3020  }
0x8e: {  	s0 =	simm.s32 @p0 $0x3  }
0x8f: {  	_ =	swait.ge @p0 [sflag:s0], $0x3020  }
0x90: {  	[sflag:s0] =	ssyncset.done @p0 $0x0  }
0x91: {  	[sflag:s0] =	ssyncadd.s32 @p0 $0xFFFFCFE0;
	s0 =	sadd.s32 @!p0 s4, s14  }
0x92: {  	[hbm:s0], [sflag:s7] =	dma.local @!p0 [spmem:s28], $0x30E0  }
0x93: {  	s0 =	simm.s32 @!p0 $0x3  }
0x94: {  	_ =	swait.ge @!p0 [sflag:s0], $0x30E0  }
0x95: {  	s25 =	sadd.s32 $0x1, s25;
	s31 =	rddreg [dreg:$0x5]  }
0x96: {  	p1 =	sne.s32 s25, s31  }
.Ltmp2:
0x97: {  	_ = 	snop;
	(pc) =	sbr.rel @p1 .LBB2_1-.Ltmp2, $3  }
0x98: {  	[sflag:s0] =	ssyncset.done @!p0 $0x0  }
0x99: {  	[sflag:s0] =	ssyncadd.s32 @!p0 $0xFFFFCF20  }
0x9a: {  	[bflag:$0x0] =	sbarrier.arrive $0xFFFF;
	_ =	sdelay $0x1  }
0x9b: {  	_ =	sfence.sel $0x180000  }
0x9c: {  	[bflag:$0x0] =	sbarrier.arrive $0xFFFF  }
0x9d: {  	_ =	strace $0x9000004A  }
0x9e: {  	s0 =	stileid.u32;
	[bflag:$0x2] =	sbarrier.arrive $0xFFFF  }
0x9f: {  	p0 =	sne.s32 s0, $0x0;
	s0 =	rddreg [dreg:$0x2]  }
0xa0: {  	s0 =	sadd.s32 @!p0 $0x100000, s0  }
0xa1: {  	[sflag:s0] =	ssyncadd.tile.s32 @!p0 $0x1;
	_ =	shalt  }
.Lfunc_end2:
_tile_overlayer_lowered:
.L_overlay_start_2:
0xa2: {  	(tag) =	ssettag $0x2  }
0xa3: {  	s0 =	rddreg [dreg:$0x0];
	s2 =	stileid.u32  }
0xa4: {  	s1 =	rddreg [dreg:$0x1];
	p0 =	sne.s32 s2, $0x0  }
0xa5: {  	s3 =	rddreg [dreg:$0x2];
	[bflag:$0x3] =	sbarrier.arrive $0xFFFF;
	s2 =	simm.s32 @!p0 $0x1C03  }
0xa6: {  	[timem:s3], [sflag:s2] =	dma.local @!p0 [hbm:s0], s1  }
0xa7: {  	s0 =	simm.s32 @!p0 $0x3  }
0xa8: {  	_ =	swait.ge @!p0 [sflag:s0], s1  }
0xa9: {  	s1 =	ssub.s32 @!p0 $0x0, s1;
	[sflag:s0] =	ssyncset.done @!p0 $0x0  }
0xaa: {  	[sflag:s0] =	ssyncadd.s32 @!p0 s1  }
0xab: {  	[bflag:$0x3] =	sbarrier.arrive $0xFFFF  }
0xac: {  	_ =	shalt  }

// kernel: kernel.5.cloned.1.call-start
scs
__scs_entry_jumppad:
0x0: {  	(pc) =	sbr.rel $0x88, $3  }
0x1: {  	(tag) =	ssettag $0x0;
	lr =	simm.s32 $0x1  }
0x2: {  	[smem:$0x3F99] =	sst lr;
	_ =	strace $0xD0000000  }
0x3: {  	_ = 	snop  }
0x4: {  	_ = 	snop  }
0x5: {  	_ = 	snop  }
0x6: {  	_ = 	snop  }
0x7: {  	_ = 	snop  }
__scs_overlays_trampoline_lowered:
0x8: {  	[smem:$0x3FA8] =	sst s0  }
0x9: {  	[smem:$0x3FA9] =	sst s1  }
0xa: {  	[smem:$0x3FAA] =	sst s2  }
0xb: {  	[smem:$0x3FAB] =	sst s3  }
0xc: {  	[smem:$0x3FAC] =	sst s4  }
0xd: {  	[smem:$0x3FAD] =	sst s5  }
0xe: {  	[smem:$0x3FAE] =	sst s6  }
0xf: {  	[smem:$0x3FAF] =	sst s7  }
0x10: {  	[smem:$0x3FB0] =	sst s8  }
0x11: {  	[smem:$0x3FB1] =	sst s9;
	s0 =	simm.s32 @!p0 $0x0  }
0x12: {  	s1 =	sld [smem:$0x3F97];
	s0 =	simm.s32 @p0 $0x1  }
0x13: {  	[smem:$0x3FB2] =	sst s0;
	s0 =	simm.s32 @!p1 $0x0  }
0x14: {  	s2 =	sld [smem:$0x3F96];
	s0 =	simm.s32 @p1 $0x1  }
0x15: {  	[smem:$0x3FB3] =	sst s0;
	s0 =	simm.s32 @!p2 $0x0  }
0x16: {  	s3 =	sld [smem:$0x3FDB];
	s0 =	simm.s32 @p2 $0x1  }
0x17: {  	s4 =	simm.s32 $0x1BF5;
	[smem:$0x3FB5] =	sst s0  }
0x18: {  	s0 =	sld [smem:$0x3F98];
	_ =	swait.ge [sflag:s4], $0x0  }
0x19: {  	s7 =	sld [smem:$0x3F99]  }
0x1a: {  	s8 =	sadd.s32 $0xFFFFE003, lr  }
0x1b: {  	s9 =	sadd.s32 $0xFFFFFEF7, lr;
	s5 =	simm.s32 $0xFFFFFFFF;
	p2 =	slt.u32 s8, $0xFFFFF086  }
0x1c: {  	p1 =	slt.u32 s9, $0xF7A;
	s5 =	simm.s32 @!p2 $0x0  }
0x1d: {  	s5 =	simm.s32 @p1 $0x1;
	p0 =	seq.s32 s7, s2  }
0x1e: {  	s7 =	smul.u32 @!p0 $0xF7A, s2;
	p2 =	seq.s32 @!p0 s5, $0x0  }
0x1f: {  	s9 =	smul.u32 $0xF7A, s1;
	s8 =	simm.s32 @!p0 $0x1BF5;
	p2 =	por !p2, p0  }
0x20: {  	[sflag:s8] =	ssyncset.s32 @!p0 $0xFFFFF086;
	s6 =	sadd.s32 @!p0 s3, s7;
	s7 =	simm.s32 @!p0 $0x108  }
0x21: {  	s3 =	sadd.s32 s3, s9;
	s6 =	sadd.s32 @!p0 $0x88, s6;
	s7 =	simm.s32 @p2 $0x1082  }
0x22: {  	[simem:s7], [sflag:s8] =	dma.local @!p0 [hbm:s6], $0xF7A  }
0x23: {  	s9 =	sor.u32 $0xD0000000, s2;
	s6 =	simm.s32 $0x108;
	_ =	swait.ge @!p0 [sflag:s8], $0x0  }
0x24: {  	s3 =	sadd.s32 $0x88, s3;
	s6 =	simm.s32 @!p1 $0x1082;
	[sflag:s4] =	ssyncset.s32 $0xFFFFF086  }
0x25: {  	[simem:s6], [sflag:s4] =	dma.local [hbm:s3], $0xF7A  }
0x26: {  	[smem:$0x3F99] =	sst s1;
	(tag) =	ssettag s2;
	_ =	strace s9  }
0x27: {  	s1 =	sld [smem:$0x3FA9]  }
0x28: {  	s2 =	sld [smem:$0x3FAA]  }
0x29: {  	s4 =	sld [smem:$0x3FAC]  }
0x2a: {  	p0 =	seq.s32 s5, $0x0;
	s5 =	sld [smem:$0x3FAD]  }
0x2b: {  	s6 =	sld [smem:$0x3FAE]  }
0x2c: {  	s7 =	sld [smem:$0x3FAF]  }
0x2d: {  	s3 =	simm.s32 $0x108;
	s8 =	sld [smem:$0x3FB0]  }
0x2e: {  	s3 =	simm.s32 @!p0 $0x1082;
	s9 =	sld [smem:$0x3FB1]  }
0x2f: {  	lr =	sadd.s32 s0, s3;
	s0 =	sld [smem:$0x3FA8]  }
0x30: {  	s3 =	sld [smem:$0x3FAB]  }
0x31: {  	[smem:$0x3FB4] =	sst s10  }
0x32: {  	s10 =	sld [smem:$0x3FB2];
	_ =	sdelay $0x3  }
0x33: {  	p0 =	seq.s32 s10, $0x1;
	s10 =	sld [smem:$0x3FB4];
	_ =	sdelay $0x3  }
0x34: {  	[smem:$0x3FB4] =	sst s10  }
0x35: {  	s10 =	sld [smem:$0x3FB3];
	_ =	sdelay $0x3  }
0x36: {  	p1 =	seq.s32 s10, $0x1;
	s10 =	sld [smem:$0x3FB4];
	_ =	sdelay $0x3  }
0x37: {  	[smem:$0x3FB4] =	sst s10  }
0x38: {  	s10 =	sld [smem:$0x3FB5]  }
0x39: {  	_ = 	snop;
	(pc) =	sbr.ind lr, $3  }
0x3a: {  	_ = 	snop  }
0x3b: {  	_ = 	snop  }
0x3c: {  	p2 =	seq.s32 s10, $0x1;
	s10 =	sld [smem:$0x3FB4]  }
0x3d: {  	_ =	shalt  }
0x3e: {  	_ =	shalt  }
0x3f: {  	_ =	shalt  }
0x40: {  	_ =	shalt  }
0x41: {  	_ =	shalt  }
0x42: {  	_ =	shalt  }
0x43: {  	_ =	shalt  }
0x44: {  	_ =	shalt  }
0x45: {  	_ =	shalt  }
0x46: {  	_ =	shalt  }
0x47: {  	_ =	shalt  }
0x48: {  	_ =	shalt  }
0x49: {  	_ =	shalt  }
0x4a: {  	_ =	shalt  }
0x4b: {  	_ =	shalt  }
0x4c: {  	_ =	shalt  }
0x4d: {  	_ =	shalt  }
0x4e: {  	_ =	shalt  }
0x4f: {  	_ =	shalt  }
0x50: {  	_ =	shalt  }
0x51: {  	_ =	shalt  }
0x52: {  	_ =	shalt  }
0x53: {  	_ =	shalt  }
0x54: {  	_ =	shalt  }
0x55: {  	_ =	shalt  }
0x56: {  	_ =	shalt  }
0x57: {  	_ =	shalt  }
0x58: {  	_ =	shalt  }
0x59: {  	_ =	shalt  }
0x5a: {  	_ =	shalt  }
0x5b: {  	_ =	shalt  }
0x5c: {  	_ =	shalt  }
0x5d: {  	_ =	shalt  }
0x5e: {  	_ =	shalt  }
0x5f: {  	_ =	shalt  }
0x60: {  	_ =	shalt  }
0x61: {  	_ =	shalt  }
0x62: {  	_ =	shalt  }
0x63: {  	_ =	shalt  }
0x64: {  	_ =	shalt  }
0x65: {  	_ =	shalt  }
0x66: {  	_ =	shalt  }
0x67: {  	_ =	shalt  }
0x68: {  	_ =	shalt  }
0x69: {  	_ =	shalt  }
0x6a: {  	_ =	shalt  }
0x6b: {  	_ =	shalt  }
0x6c: {  	_ =	shalt  }
0x6d: {  	_ =	shalt  }
0x6e: {  	_ =	shalt  }
0x6f: {  	_ =	shalt  }
0x70: {  	_ =	shalt  }
0x71: {  	_ =	shalt  }
0x72: {  	_ =	shalt  }
0x73: {  	_ =	shalt  }
0x74: {  	_ =	shalt  }
0x75: {  	_ =	shalt  }
0x76: {  	_ =	shalt  }
0x77: {  	_ =	shalt  }
0x78: {  	_ =	shalt  }
0x79: {  	_ =	shalt  }
0x7a: {  	_ =	shalt  }
0x7b: {  	_ =	shalt  }
0x7c: {  	_ =	shalt  }
0x7d: {  	_ =	shalt  }
0x7e: {  	_ =	shalt  }
0x7f: {  	_ =	shalt  }
0x80: {  	_ =	shalt  }
0x81: {  	_ =	shalt  }
0x82: {  	_ =	shalt  }
0x83: {  	_ =	shalt  }
0x84: {  	_ =	shalt  }
0x85: {  	_ =	shalt  }
0x86: {  	_ =	shalt  }
0x87: {  	_ =	shalt  }
.Lfunc_end0:
.L_simem_size_0:
called_computation.1_lowered:
.L_overlay_start_0:
0x88: {  	s2 =	sld [smem:$0x3FD9]  }
0x89: {  	s3 =	sld [smem:$0x3FFE];
	_ =	sdelay $0x1  }
0x8a: {  	s1 =	srdreg.scid  }
0x8b: {  	s0 =	sand.u32 $0x1, s1  }
0x8c: {  	s17 =	sshll.u32 s0, $0xA;
	s2 =	sadd.s32 s3, s2  }
0x8d: {  	s2 =	sadd.s32 s2, s17  }
0x8e: {  	[smem:$0x3FC0] =	sst s2  }
0x8f: {  	_ = 	snop  }
0x90: {  	s2 =	sld [smem:$0x3FD0];
	(tm) =	ssettm $0x1  }
0x91: {  	s18 =	sld [smem:$0x3FFB];
	_ =	sdelay $0x3  }
0x92: {  	_ =	strace s18  }
0x93: {  	s3 =	sld [smem:$0x3FFC];
	_ =	sdelay $0x3  }
0x94: {  	_ =	strace s3  }
0x95: {  	s3 =	sld [smem:$0x3FFD];
	_ =	sdelay $0x3  }
0x96: {  	_ =	strace s3  }
0x97: {  	_ =	strace $0x8FFFFFFF  }
0x98: {  	s19 =	sld [smem:$0x3FDB];
	_ =	sdelay $0x1  }
0x99: {  	s4 =	simm.s32 $_scs_section_size  }
0x9a: {  	s5 =	simm.s32 $_size__tile_overlayer_lowered;
	s6 =	simm.s32 $_tile_overlayer_lowered  }
0x9b: {  	s22 =	simm.s32 $0x1BFF;
	s21 =	sshll.u32 s6, $0x1;
	s3 =	sadd.s32 s4, s19  }
0x9c: {  	s7 =	simm.s32 $0x0;
	s20 =	sshll.u32 s5, $0x1;
	s5 =	sadd.s32 s21, s3  }
0x9d: {  	[timem:s7], [sflag:s22] =	dma.local [hbm:s5], s20  }
0x9e: {  	_ =	swait.ge [sflag:s22], s20  }
0x9f: {  	s4 =	ssub.s32 $0x0, s20;
	[sflag:s22] =	ssyncset.done $0x0  }
0xa0: {  	[sflag:s22] =	ssyncadd.s32 s4;
	_ =	sdelay $0x1  }
0xa1: {  	s23 =	simm.s32 $0x1B8B  }
0xa2: {  	_ =	swait.ge [sflag:s23], $0x1  }
0xa3: {  	[sflag:s23] =	ssyncset.done $0x0  }
0xa4: {  	s25 =	simm.s32 $0x1B8E;
	s24 =	sld [smem:$0x3FFE];
	[sflag:s23] =	ssyncadd.s32 $0xFFFFFFFF  }
0xa5: {  	s26 =	simm.s32 $execute0_lowered;
	[smem:$0x3FD2] =	sst s25  }
0xa6: {  	s5 =	sshll.u32 s26, $0x1;
	_ =	strace $0x80000046;
	[dreg:$0x1] =	wrdreg $0xFFFFFFFF  }
0xa7: {  	s28 =	simm.s32 $_size_execute0_lowered;
	s3 =	sadd.s32 s3, s5;
	[dreg:$0x0] =	wrdreg $0x0  }
0xa8: {  	s5 =	sshll.u32 s28, $0x1;
	[dreg:$0x2] =	wrdreg s3  }
0xa9: {  	[dreg:$0x3] =	wrdreg s5  }
0xaa: {  	[dreg:$0x4] =	wrdreg $0xC0  }
0xab: {  	_ =	task [dreg:s7], $0x5FFFF  }
0xac: {  	[dreg:$0x1] =	wrdreg $0xFFFFFFFF  }
0xad: {  	[dreg:$0x0] =	wrdreg $0x60  }
0xae: {  	[dreg:$0x2] =	wrdreg s24  }
0xaf: {  	[dreg:$0x3] =	wrdreg s2  }
0xb0: {  	[dreg:$0x4] =	wrdreg $0x17700  }
0xb1: {  	[dreg:$0x5] =	wrdreg $0x9  }
0xb2: {  	_ =	task.clear_ibuf [dreg:s7], $0x6FFFF;
	_ =	strace $0x90000046  }
0xb3: {  	s29 =	simm.s32 $0x9;
	_ =	strace $0x80000048  }
0xb4: {  	_ =	swait.ge [sflag:s29], $0x1  }
0xb5: {  	[sflag:s29] =	ssyncadd.s32 $0xFFFFFFFF  }
0xb6: {  	_ =	strace $0x90000048  }
0xb7: {  	_ =	sfence  }
0xb8: {  	s30 =	sld [smem:$0x0];
	_ =	sdelay $0x2  }
0xb9: {  	s31 =	sshll.u32 s1, $0xD;
	s1 =	sshrl.u32 s1, $0x2  }
0xba: {  	s3 =	sand.u32 $0x4000, s31;
	s1 =	sadd.s32 s1, s30  }
0xbb: {  	s0 =	sor.u32 s3, s0;
	s1 =	sshll.u32 s1, $0x11  }
0xbc: {  	s0 =	sor.u32 s1, s0  }
0xbd: {  	s0 =	sadd.s32 $0x8F2B, s0  }
0xbe: {  	[sflag:s0] =	ssyncadd.remote.s32 $0x1  }
0xbf: {  	_ =	sfence.sel $0xFFFF  }
0xc0: {  	[dreg:$0x0] =	wrdreg $0xFFFFFFFF;
	(pc) =	sbr.abs _section_cstart, $3  }
0xc1: {  	[dreg:$0x1] =	wrdreg $0xFFFFFFFF  }
0xc2: {  	_ =	task.clear_ibuf [dreg:s7], $0x2FFFF;
	_ =	strace $0x9FFFFFFF  }
0xc3: {  	(tm) =	ssettm $0x7FFFFFFF  }
tec
execute0_lowered:
.L_overlay_start_1:
0x0: {  	(tag) =	ssettag $0x1  }
0x1: {  	s8 =	rddreg [dreg:$0x0]  }
0x2: {  	s13 =	rddreg [dreg:$0x1]  }
0x3: {  	s1 =	rddreg [dreg:$0x2];
	s3 =	simm.s32 $0x0  }
0x4: {  	s0 =	stileid.u32;
	s5 =	srdreg.scid;
	s19 =	simm.s32 $0x3E8  }
0x5: {  	s20 =	simm.s32 $0xFA0;
	s21 =	simm.s32 $0x2;
	s23 =	simm.s32 $0x1388  }
0x6: {  	s25 =	simm.s32 $0x0;
	[smem:$0x7FF] =	sst s3;
	s4 =	sadd.s32 $0x31800, s8  }
0x7: {  	s9 =	smul.u32 $0x1870, s0;
	s10 =	sand.u32 $0x1, s5;
	s5 =	sadd.s32 $0xA00, s8  }
0x8: {  	s6 =	sadd.s32 $0x62600, s8;
	s29 =	sshll.u32 s0, $0x6;
	s18 =	smul.u32 $0xC350, s0  }
0x9: {  	s24 =	sadd.s32 $0x16E90, s1;
	p0 =	seq.s32 s0, $0xF;
	_ =	strace $0x80000047  }
0xa: {  	s11 =	sshll.u32 s10, $0x4;
	s12 =	ssub.s32 $0x2, s10;
	s16 =	smul.u32 $0x30D4, s10  }
0xb: {  	s17 =	smul.u32 $0xC3500, s10;
	s10 =	sor.u32 $0x1C03, s29;
	s24 =	sshrl.u32 @p0 s24, $0x3  }
0xc: {  	s7 =	sshrl.u32 s9, $0x3;
	s11 =	sor.u32 s0, s11;
	s28 =	sshrl.u32 s12, $0x1  }
0xd: {  	s14 =	sadd.s32 s7, s8;
	s11 =	smul.u32 $0xC350, s11;
	s15 =	ssub.s32 s12, s28  }
0xe: {  	s8 =	sadd.s32 s9, s1;
	s13 =	sadd.s32 s13, s16;
	s31 =	sadd.s32 s18, s17  }
0xf: {  	s17 =	simm.s32 $0x3;
	s18 =	simm.s32 $0x7D0;
	s9 =	sadd.s32 $0x65800, s14  }
0x10: {  	s14 =	smax.u32 s15, $0x1;
	s15 =	sadd.s32 $0x3E8, s31;
	s30 =	sshrl.u32 s11, $0x3  }
0x11: {  	s16 =	sshrl.u32 s8, $0x3;
	s11 =	sadd.s32 s4, s30;
	s12 =	sadd.s32 s5, s30  }
.LBB2_1:
0x12: {  	[spmem:s16], [sflag:s10] =	dma.local [hbm:s9], $0x30E  }
0x13: {  	_ =	swait.ge [sflag:s17], $0x30E  }
0x14: {  	[sflag:s17] =	ssyncset.done $0x0  }
0x15: {  	[sflag:s17] =	ssyncadd.s32 $0xFFFFFCF2  }
0x16: {  	[bflag:$0x0] =	sbarrier.arrive $0xFFFF  }
0x17: {  	[tilespmem:s3], [sflag:$0x3] =	stream.linear.gather [hbm4b:s11+s3], $0x3E8, $0x38;
	[tilespmem:$0x2FE0] =	vst v63  }
0x18: {  	_ =	swait.ge [sflag:s17], $0x3E8  }
0x19: {  	[sflag:s17] =	ssyncset.done $0x0  }
0x1a: {  	[sflag:s17] =	ssyncadd.s32 $0xFFFFFC18  }
0x1b: {  	[tilespmem:s18], [sflag:$0x3] =	stream.linear.gather [hbm4b:s12+s3], $0x3E8, $0x38;
	[tilespmem:$0x2FE0] =	vst v63  }
0x1c: {  	_ =	swait.ge [sflag:s17], $0x3E8  }
0x1d: {  	[sflag:s17] =	ssyncset.done $0x0  }
0x1e: {  	s26 =	smov.u32 s15;
	s28 =	simm.s32 $0x0;
	[sflag:s17] =	ssyncadd.s32 $0xFFFFFC18  }
0x1f: {  	[tilespmem:s20], [sflag:$0x1] =	stream.indirect.gather [hbm4b:s6+s19], $0x1, s3, s19, $0xb8;
	[tilespmem:$0x2FE0] =	vst v63  }
.LBB2_2:
0x20: {  	s29 =	sand.u32 $0x1, s28  }
0x21: {  	p1 =	seq.s32 s29, $0x1  }
0x22: {  	s30 =	sshrl.u32 @!p1 s26, $0x3  }
0x23: {  	s0 =	simm.s32 @!p1 $0x0;
	s2 =	simm.s32 @!p1 $0x3E8;
	s31 =	sadd.s32 @!p1 s4, s30  }
0x24: {  	[tilespmem:s2], [sflag:$0x3] =	stream.linear.gather @!p1 [hbm4b:s31+s0], $0x3E8, $0x38;
	[tilespmem:$0x2FE0] =	vst v63  }
0x25: {  	s31 =	simm.s32 @!p1 $0x3  }
0x26: {  	_ =	swait.ge @!p1 [sflag:s31], $0x3E8  }
0x27: {  	[sflag:s31] =	ssyncset.done @!p1 $0x0  }
0x28: {  	s22 =	simm.s32 @!p1 $0xBB8;
	s30 =	sadd.s32 @!p1 s5, s30;
	[sflag:s31] =	ssyncadd.s32 @!p1 $0xFFFFFC18  }
0x29: {  	[tilespmem:s22], [sflag:$0x3] =	stream.linear.gather @!p1 [hbm4b:s30+s0], $0x3E8, $0x38;
	[tilespmem:$0x2FE0] =	vst v63  }
0x2a: {  	_ =	swait.ge @!p1 [sflag:s31], $0x3E8  }
0x2b: {  	[sflag:s31] =	ssyncset.done @!p1 $0x0  }
0x2c: {  	s0 =	simm.s32 @!p1 $0x1388;
	[sflag:s31] =	ssyncadd.s32 @!p1 $0xFFFFFC18  }
0x2d: {  	[tilespmem:s0], [sflag:$0x2] =	stream.indirect.gather @!p1 [hbm4b:s6+s2], $0x1, s2, s2, $0xb8;
	[tilespmem:$0x2FE0] =	vst v63  }
0x2e: {  	s0 =	simm.s32 @!p1 $0x1  }
0x2f: {  	p2 =	seq.s32 @!p1 s29, $0x0;
	_ =	swait.ge @!p1 [sflag:s0], $0x3E8  }
0x30: {  	p2 =	por p1, !p2;
	[sflag:s0] =	ssyncset.done @!p1 $0x0  }
0x31: {  	[sflag:s0] =	ssyncadd.s32 @!p1 $0xFFFFFC18;
	s0 =	sshrl.u32 @p2 s26, $0x3  }
0x32: {  	s2 =	sadd.s32 @p2 s4, s0  }
0x33: {  	[tilespmem:s3], [sflag:$0x3] =	stream.linear.gather @p2 [hbm4b:s2+s3], $0x3E8, $0x38;
	[tilespmem:$0x2FE0] =	vst v63  }
0x34: {  	_ =	swait.ge @p2 [sflag:s17], $0x3E8  }
0x35: {  	[sflag:s17] =	ssyncset.done @p2 $0x0  }
0x36: {  	s0 =	sadd.s32 @p2 s5, s0;
	[sflag:s17] =	ssyncadd.s32 @p2 $0xFFFFFC18  }
0x37: {  	[tilespmem:s18], [sflag:$0x3] =	stream.linear.gather @p2 [hbm4b:s0+s3], $0x3E8, $0x38;
	[tilespmem:$0x2FE0] =	vst v63  }
0x38: {  	_ =	swait.ge @p2 [sflag:s17], $0x3E8  }
0x39: {  	[sflag:s17] =	ssyncset.done @p2 $0x0  }
0x3a: {  	s30 =	smul.u32 $0x3E8, s29;
	[sflag:s17] =	ssyncadd.s32 @p2 $0xFFFFFC18  }
0x3b: {  	[tilespmem:s20], [sflag:$0x1] =	stream.indirect.gather @p2 [hbm4b:s6+s19], $0x1, s3, s19, $0xb8;
	[tilespmem:$0x2FE0] =	vst v63  }
0x3c: {  	s28 =	sadd.s32 $0x1, s28;
	_ =	swait.ge @p2 [sflag:s21], $0x3E8  }
0x3d: {  	s31 =	sadd.s32 $0xFA0, s30;
	p1 =	sne.s32 s28, $0x31;
	[sflag:s21] =	ssyncset.done @p2 $0x0  }
.Ltmp0:
0x3e: {  	s0 =	sadd.s32 $0x7D0, s30;
	[sflag:s21] =	ssyncadd.s32 @p2 $0xFFFFFC18;
	(pc) =	sbr.rel @p1 .LBB2_2-.Ltmp0, $4  }
0x3f: {  	[spmem:s1] =	stream.indirect.scatter.add.f32 [tilespmem:s31], [sflag:$0x3], $0x1, s0, s19, $0xb8;
	[tilespmem:$0x2FE0] =	vst v63  }
0x40: {  	_ =	swait.ge [sflag:s17], $0x3E8  }
0x41: {  	[sflag:s17] =	ssyncset.done $0x0  }
0x42: {  	s26 =	sadd.s32 $0x3E8, s26;
	[sflag:s17] =	ssyncadd.s32 $0xFFFFFC18  }
0x43: {  	_ =	swait.ge [sflag:s21], $0x3E8  }
0x44: {  	[sflag:s21] =	ssyncset.done $0x0  }
0x45: {  	s0 =	simm.s32 $0xBB8;
	[sflag:s21] =	ssyncadd.s32 $0xFFFFFC18  }
0x46: {  	[spmem:s1] =	stream.indirect.scatter.add.f32 [tilespmem:s23], [sflag:$0x3], $0x1, s0, s19, $0xb8;
	[tilespmem:$0x2FE0] =	vst v63  }
0x47: {  	_ =	swait.ge [sflag:s17], $0x3E8  }
0x48: {  	[sflag:s17] =	ssyncset.done $0x0  }
0x49: {  	[sflag:s17] =	ssyncadd.s32 $0xFFFFFC18  }
0x4a: {  	s0 =	sadd.s32 @p0 $0x2DD2, s13;
	[bflag:$0x0] =	sbarrier.arrive $0xFFFF  }
0x4b: {  	[hbm:s0], [sflag:s10] =	dma.local @p0 [spmem:s24], $0x302  }
0x4c: {  	s0 =	simm.s32 @p0 $0x3  }
0x4d: {  	_ =	swait.ge @p0 [sflag:s0], $0x302  }
0x4e: {  	s2 =	sshrl.u32 @!p0 s8, $0x3;
	s25 =	sadd.s32 $0x1, s25;
	[sflag:s0] =	ssyncset.done @p0 $0x0  }
0x4f: {  	p1 =	sne.s32 s25, s14;
	[sflag:s0] =	ssyncadd.s32 @p0 $0xFFFFFCFE;
	s0 =	sadd.s32 @!p0 s7, s13  }
0x50: {  	[hbm:s0], [sflag:s10] =	dma.local @!p0 [spmem:s2], $0x30E  }
.Ltmp1:
0x51: {  	_ = 	snop;
	(pc) =	sbr.rel @p1 .LBB2_1-.Ltmp1, $4  }
0x52: {  	s0 =	simm.s32 @!p0 $0x3  }
0x53: {  	_ =	swait.ge @!p0 [sflag:s0], $0x30E  }
0x54: {  	[sflag:s0] =	ssyncset.done @!p0 $0x0  }
0x55: {  	[sflag:s0] =	ssyncadd.s32 @!p0 $0xFFFFFCF2  }
0x56: {  	_ =	sfence.sel $0x180000  }
0x57: {  	[bflag:$0x0] =	sbarrier.arrive $0xFFFF  }
0x58: {  	_ =	strace $0x90000047  }
0x59: {  	s0 =	stileid.u32;
	[bflag:$0x2] =	sbarrier.arrive $0xFFFF  }
0x5a: {  	p0 =	sne.s32 s0, $0x0;
	s0 =	rddreg [dreg:$0x3]  }
0x5b: {  	s0 =	sadd.s32 @!p0 $0x100000, s0  }
0x5c: {  	[sflag:s0] =	ssyncadd.tile.s32 @!p0 $0x1;
	_ =	shalt  }
.Lfunc_end2:
_tile_overlayer_lowered:
.L_overlay_start_2:
0x5d: {  	(tag) =	ssettag $0x2  }
0x5e: {  	s0 =	rddreg [dreg:$0x0];
	s2 =	stileid.u32  }
0x5f: {  	s1 =	rddreg [dreg:$0x1];
	p0 =	sne.s32 s2, $0x0  }
0x60: {  	s3 =	rddreg [dreg:$0x2];
	[bflag:$0x3] =	sbarrier.arrive $0xFFFF;
	s2 =	simm.s32 @!p0 $0x1C03  }
0x61: {  	[timem:s3], [sflag:s2] =	dma.local @!p0 [hbm:s0], s1  }
0x62: {  	s0 =	simm.s32 @!p0 $0x3  }
0x63: {  	_ =	swait.ge @!p0 [sflag:s0], s1  }
0x64: {  	s1 =	ssub.s32 @!p0 $0x0, s1;
	[sflag:s0] =	ssyncset.done @!p0 $0x0  }
0x65: {  	[sflag:s0] =	ssyncadd.s32 @!p0 s1  }
0x66: {  	[bflag:$0x3] =	sbarrier.arrive $0xFFFF  }
0x67: {  	_ =	shalt  }

</sc_bundles>
